<compile_context>
chip_gen: v7x
topology: tpu7x:2x2x1
jax: 0.10.2.dev20260603
libtpu: 0.0.44.dev20260713+nightly
codegen_flags: <defaults>
</compile_context>

<pallas_src>
import jax
import jax.numpy as jnp
from jax import lax
from jax.experimental import pallas as pl
from jax.experimental.pallas import tpu as pltpu
from jax.experimental.pallas import tpu_sc as plsc

_VOCAB = 1000000
_CHUNK = 16
_NCH = 4
_ROWS = 8388608 // (_NCH * _CHUNK) // 2
_BATCH = 16384

_INFO = plsc.get_sparse_core_info()
_NC = _INFO.num_cores
_NS = _INFO.num_subcores
_NW = _NC * _NS
_NB = _BATCH // _NW
_NI = _NB * _NCH


def _body(t0_hbm, t1_hbm, r01a_hbm, out_hbm,
          r0_v, r1_v, i0_v, i1_v, p0_v, p1_v, q_v, s0, s1):
    wid = lax.axis_index("s") * _NC + lax.axis_index("c")
    base = wid * _NI

    pltpu.sync_copy(r01a_hbm.at[pl.ds(base, _NI)], r0_v)
    pltpu.sync_copy(r01a_hbm.at[pl.ds(_BATCH * _NCH + base, _NI)], r1_v)

    lane = lax.iota(jnp.int32, 16)
    col = lane & 3

    def repack(i, _):
        g0 = r0_v[pl.ds(i * 16, 16)] & (_ROWS - 1)
        g1 = r1_v[pl.ds(i * 16, 16)] & (_ROWS - 1)
        i0_v[pl.ds(i * 16, 16)] = g0 * 4 + col
        i1_v[pl.ds(i * 16, 16)] = g1 * 4 + col
        return 0

    lax.fori_loop(0, _NI // 16, repack, 0)

    cp0 = pltpu.async_copy(t0_hbm.at[i0_v], p0_v, s0)
    cp1 = pltpu.async_copy(t1_hbm.at[i1_v], p1_v, s1)
    cp0.wait()
    cp1.wait()

    def add(b, _):
        for c in range(4):
            j = b * 4 + c
            q_v[b, pl.ds(c * 16, 16)] = p0_v[j] + p1_v[j]
        return 0

    lax.fori_loop(0, _NB, add, 0)

    pltpu.sync_copy(q_v, out_hbm.at[pl.ds(wid * _NB, _NB)])


@jax.jit
def _run(x, table0, table1, h0, h1):
    rows0 = jnp.take(h0, x, axis=0)
    rows1 = jnp.take(h1, x, axis=0)
    r01f = jnp.concatenate([rows0, rows1], axis=0).reshape(2 * _BATCH * _NCH)
    t0f = table0.reshape(_ROWS * _NCH, _CHUNK)
    t1f = table1.reshape(_ROWS * _NCH, _CHUNK)

    kern = pl.kernel(
        _body,
        out_type=jax.ShapeDtypeStruct((_BATCH, _NCH * _CHUNK), jnp.float32),
        mesh=plsc.VectorSubcoreMesh(core_axis_name="c", subcore_axis_name="s"),
        compiler_params=pltpu.CompilerParams(use_tc_tiling_on_sc=False),
        scratch_types=[
            pltpu.VMEM((_NI,), jnp.int32),
            pltpu.VMEM((_NI,), jnp.int32),
            pltpu.VMEM((_NI,), jnp.int32),
            pltpu.VMEM((_NI,), jnp.int32),
            pltpu.VMEM((_NI, _CHUNK), jnp.float32),
            pltpu.VMEM((_NI, _CHUNK), jnp.float32),
            pltpu.VMEM((_NB, _NCH * _CHUNK), jnp.float32),
            pltpu.SemaphoreType.DMA,
            pltpu.SemaphoreType.DMA,
        ],
    )
    return kern(t0f, t1f, r01f)


def kernel(x, table0, table1, h0, h1):
    return _run(x, table0, table1, h0, h1)

# --- scband reference (transcript-rebuilt; emitter-appended) ---
"""Pipeline reference for scband-ccembedding-30666066493611 (READ-ONLY COPY).

The authoritative reference and input builder live on the scoring server;
editing this copy changes nothing except your own understanding.
"""

import jax, jax.numpy as jnp
import numpy as np

VOCAB = 1000000
NUM_PARAMS = 8388608
CHUNK_SIZE = 16
N_CHUNKS = 4
DIM = N_CHUNKS * CHUNK_SIZE
ROWS = NUM_PARAMS // DIM // 2
BATCH = 16384


def setup_inputs(seed: int = 0) -> dict:
    key = jax.random.key(seed)
    k1, k2, k3, k4, k5 = jax.random.split(key, 5)
    bound = DIM ** (-0.5)
    table0 = jax.random.uniform(k1, (ROWS, N_CHUNKS, CHUNK_SIZE), minval=-bound, maxval=bound, dtype=jnp.float32)
    table1 = jax.random.uniform(k2, (ROWS, N_CHUNKS, CHUNK_SIZE), minval=-bound, maxval=bound, dtype=jnp.float32)
    h0 = jax.random.randint(k3, (VOCAB, N_CHUNKS), 0, ROWS, dtype=jnp.int32)
    h1 = jax.random.randint(k4, (VOCAB, N_CHUNKS), 0, ROWS, dtype=jnp.int32)
    x = jax.random.randint(k5, (BATCH,), 0, VOCAB, dtype=jnp.int32)
    return {"x": x, "table0": table0, "table1": table1, "h0": h0, "h1": h1}


def reference(x, table0, table1, h0, h1):
    n_chunks = table0.shape[1]
    cols = jnp.arange(n_chunks)
    # h0[x] -> [B, n_chunks] row ids; advanced indexing picks chunk i from row h0[x][:, i]
    rows0 = jnp.take(h0, x, axis=0)  # [B, n_chunks]
    rows1 = jnp.take(h1, x, axis=0)  # [B, n_chunks]
    part0 = table0[rows0, cols]      # [B, n_chunks, chunk_size]
    part1 = table1[rows1, cols]      # [B, n_chunks, chunk_size]
    out = part0 + part1
    return out.reshape(out.shape[0], -1)

if __name__ == "__main__":
    import jax
    _d = setup_inputs()
    print(jax.jit(kernel)(*tuple(_d.values())))

</pallas_src>

<mosaic_0001>
#map = affine_map<(d0, d1) -> (0, 0)>
#map1 = affine_map<(d0, d1) -> (0)>
module attributes {stable_mosaic.version = 14 : i64} {
  func.func @_body(%arg0: i32, %arg1: i32, %arg2: memref<262144x16xf32, #tpu.memory_space<hbm>>, %arg3: memref<262144x16xf32, #tpu.memory_space<hbm>>, %arg4: memref<131072xi32, #tpu.memory_space<hbm>>, %arg5: memref<16384x64xf32, #tpu.memory_space<hbm>>, %arg6: memref<2048xi32, #tpu.memory_space<vmem>>, %arg7: memref<2048xi32, #tpu.memory_space<vmem>>, %arg8: memref<2048xi32, #tpu.memory_space<vmem>>, %arg9: memref<2048xi32, #tpu.memory_space<vmem>>, %arg10: memref<2048x16xf32, #tpu.memory_space<vmem>>, %arg11: memref<2048x16xf32, #tpu.memory_space<vmem>>, %arg12: memref<512x64xf32, #tpu.memory_space<vmem>>, %arg13: memref<!tpu.dma_semaphore, #tpu.memory_space<semaphore_mem>>, %arg14: memref<!tpu.dma_semaphore, #tpu.memory_space<semaphore_mem>>) attributes {dimension_semantics = [#tpu.dimension_semantics<core_parallel>, #tpu.dimension_semantics<subcore_parallel>], iteration_bounds = array<i64: 2, 16>, scalar_prefetch = 0 : i64, scratch_operands = 9 : i64, tpu.core_type = #tpu.core_type<sc_vector_subcore>, window_params = [{transform_indices = #map}, {transform_indices = #map}, {transform_indices = #map1}, {transform_indices = #map}]} {
    %mul3A = arith.constant 2 : i32
    %mul3A_0 = arith.muli %arg1, %mul3A : i32
    %add3A = arith.addi %mul3A_0, %arg0 : i32
    %mul3A_1 = arith.constant 2048 : i32
    %mul3A_2 = arith.muli %add3A, %mul3A_1 : i32
    "tpu.region"() ({
      %run_scoped3A = tpu.sem_alloc : memref<!tpu.dma_semaphore, #tpu.memory_space<semaphore_mem>>
      %dma_start3A_32 = tpu.memref_slice %arg4[%mul3A_2] : memref<131072xi32, #tpu.memory_space<hbm>> -> memref<2048xi32, #tpu.memory_space<hbm>>
      %dma_start3A_33 = tpu.memref_slice %arg4[%mul3A_2] : memref<131072xi32, #tpu.memory_space<hbm>> -> memref<2048xi32, #tpu.memory_space<hbm>>
      tpu.enqueue_dma source(%dma_start3A_33 : memref<2048xi32, #tpu.memory_space<hbm>>) target(%arg6 : memref<2048xi32, #tpu.memory_space<vmem>>) target_semaphore(%run_scoped3A : memref<!tpu.dma_semaphore, #tpu.memory_space<semaphore_mem>>)
      %dma_wait3A_34 = tpu.memref_slice %arg4[%mul3A_2] : memref<131072xi32, #tpu.memory_space<hbm>> -> memref<2048xi32, #tpu.memory_space<hbm>>
      %dma_wait3A_35 = tpu.memref_slice %arg4[%mul3A_2] : memref<131072xi32, #tpu.memory_space<hbm>> -> memref<2048xi32, #tpu.memory_space<hbm>>
      tpu.wait_dma2 semaphore(%run_scoped3A : memref<!tpu.dma_semaphore, #tpu.memory_space<semaphore_mem>>) src(%dma_wait3A_35 : memref<2048xi32, #tpu.memory_space<hbm>>) dst(%arg6 : memref<2048xi32, #tpu.memory_space<vmem>>)
      tpu.yield
    }) : () -> ()
    %add3A_3 = arith.constant 65536 : i32
    %add3A_4 = arith.addi %add3A_3, %mul3A_2 : i32
    "tpu.region"() ({
      %run_scoped3A = tpu.sem_alloc : memref<!tpu.dma_semaphore, #tpu.memory_space<semaphore_mem>>
      %dma_start3A_32 = tpu.memref_slice %arg4[%add3A_4] : memref<131072xi32, #tpu.memory_space<hbm>> -> memref<2048xi32, #tpu.memory_space<hbm>>
      %dma_start3A_33 = tpu.memref_slice %arg4[%add3A_4] : memref<131072xi32, #tpu.memory_space<hbm>> -> memref<2048xi32, #tpu.memory_space<hbm>>
      tpu.enqueue_dma source(%dma_start3A_33 : memref<2048xi32, #tpu.memory_space<hbm>>) target(%arg7 : memref<2048xi32, #tpu.memory_space<vmem>>) target_semaphore(%run_scoped3A : memref<!tpu.dma_semaphore, #tpu.memory_space<semaphore_mem>>)
      %dma_wait3A_34 = tpu.memref_slice %arg4[%add3A_4] : memref<131072xi32, #tpu.memory_space<hbm>> -> memref<2048xi32, #tpu.memory_space<hbm>>
      %dma_wait3A_35 = tpu.memref_slice %arg4[%add3A_4] : memref<131072xi32, #tpu.memory_space<hbm>> -> memref<2048xi32, #tpu.memory_space<hbm>>
      tpu.wait_dma2 semaphore(%run_scoped3A : memref<!tpu.dma_semaphore, #tpu.memory_space<semaphore_mem>>) src(%dma_wait3A_35 : memref<2048xi32, #tpu.memory_space<hbm>>) dst(%arg7 : memref<2048xi32, #tpu.memory_space<vmem>>)
      tpu.yield
    }) : () -> ()
    %iota3A = tpu.iota {dimensions = array<i32: 0>} : vector<16xi32>
    %and3A = arith.constant 3 : i32
    %and3A_5 = vector.broadcast %and3A : i32 to vector<16xi32>
    %and3A_6 = arith.andi %iota3A, %and3A_5 : vector<16xi32>
    %scan3A = arith.constant 0 : i32
    %scan3A_7 = arith.constant 0 : i32
    %scan3A_8 = arith.constant 128 : i32
    %scan3A_9 = arith.addi %scan3A_7, %scan3A_8 : i32
    %scan3A_10 = arith.constant 1 : i32
    %scan3A_11 = scf.for %scan3A_32 = %scan3A_7 to %scan3A_9 step %scan3A_10 iter_args(%scan3A_33 = %scan3A) -> (i32)  : i32 {
      %mul3A_34 = arith.constant 16 : i32
      %mul3A_35 = arith.muli %scan3A_32, %mul3A_34 : i32
      %get3A = arith.index_cast %mul3A_35 : i32 to index
      %get3A_36 = tpu.vector_load %arg6[%get3A] {strides = array<i32>} : memref<2048xi32, #tpu.memory_space<vmem>>, vector<16xi32>,
      %get3A_37 = vector.shape_cast %get3A_36 : vector<16xi32> to vector<16xi32>
      %and3A_38 = arith.constant 65535 : i32
      %and3A_39 = vector.broadcast %and3A_38 : i32 to vector<16xi32>
      %and3A_40 = arith.andi %get3A_37, %and3A_39 : vector<16xi32>
      %mul3A_41 = arith.constant 16 : i32
      %mul3A_42 = arith.muli %scan3A_32, %mul3A_41 : i32
      %get3A_43 = arith.index_cast %mul3A_42 : i32 to index
      %get3A_44 = tpu.vector_load %arg7[%get3A_43] {strides = array<i32>} : memref<2048xi32, #tpu.memory_space<vmem>>, vector<16xi32>,
      %get3A_45 = vector.shape_cast %get3A_44 : vector<16xi32> to vector<16xi32>
      %and3A_46 = arith.constant 65535 : i32
      %and3A_47 = vector.broadcast %and3A_46 : i32 to vector<16xi32>
      %and3A_48 = arith.andi %get3A_45, %and3A_47 : vector<16xi32>
      %mul3A_49 = arith.constant 4 : i32
      %mul3A_50 = vector.broadcast %mul3A_49 : i32 to vector<16xi32>
      %mul3A_51 = arith.muli %and3A_40, %mul3A_50 : vector<16xi32>
      %add3A_52 = arith.addi %mul3A_51, %and3A_6 : vector<16xi32>
      %mul3A_53 = arith.constant 16 : i32
      %mul3A_54 = arith.muli %scan3A_32, %mul3A_53 : i32
      %swap3A = arith.index_cast %mul3A_54 : i32 to index
      %swap3A_55 = tpu.vector_load %arg8[%swap3A] {strides = array<i32>} : memref<2048xi32, #tpu.memory_space<vmem>>, vector<16xi32>,
      %swap3A_56 = vector.shape_cast %swap3A_55 : vector<16xi32> to vector<16xi32>
      %swap3A_57 = vector.shape_cast %add3A_52 : vector<16xi32> to vector<16xi32>
      tpu.vector_store %arg8[%swap3A], %swap3A_57 {strides = array<i32>} : memref<2048xi32, #tpu.memory_space<vmem>>, vector<16xi32>,
      %mul3A_58 = arith.constant 4 : i32
      %mul3A_59 = vector.broadcast %mul3A_58 : i32 to vector<16xi32>
      %mul3A_60 = arith.muli %and3A_48, %mul3A_59 : vector<16xi32>
      %add3A_61 = arith.addi %mul3A_60, %and3A_6 : vector<16xi32>
      %mul3A_62 = arith.constant 16 : i32
      %mul3A_63 = arith.muli %scan3A_32, %mul3A_62 : i32
      %swap3A_64 = arith.index_cast %mul3A_63 : i32 to index
      %swap3A_65 = tpu.vector_load %arg9[%swap3A_64] {strides = array<i32>} : memref<2048xi32, #tpu.memory_space<vmem>>, vector<16xi32>,
      %swap3A_66 = vector.shape_cast %swap3A_65 : vector<16xi32> to vector<16xi32>
      %swap3A_67 = vector.shape_cast %add3A_61 : vector<16xi32> to vector<16xi32>
      tpu.vector_store %arg9[%swap3A_64], %swap3A_67 {strides = array<i32>} : memref<2048xi32, #tpu.memory_space<vmem>>, vector<16xi32>,
      %scan3A_68 = arith.constant 0 : i32
      scf.yield %scan3A_68 : i32
    }
    %scan3A_12 = arith.constant 128 : i32
    %dma_start3A = arith.constant 0 : i32
    %dma_start3A_13 = arith.constant 0 : i32
    %dma_start3A_14 = tpu.memref_slice %arg2[%dma_start3A, %dma_start3A_13] : memref<262144x16xf32, #tpu.memory_space<hbm>> -> memref<262144x16xf32, #tpu.memory_space<hbm>>
    tpu.enqueue_indirect_dma source(%dma_start3A_14 : memref<262144x16xf32, #tpu.memory_space<hbm>>) target(%arg10 : memref<2048x16xf32, #tpu.memory_space<vmem>>) offsets(%arg8 : memref<2048xi32, #tpu.memory_space<vmem>>) semaphore(%arg13 : memref<!tpu.dma_semaphore, #tpu.memory_space<semaphore_mem>>)
    %dma_start3A_15 = arith.constant 0 : i32
    %dma_start3A_16 = arith.constant 0 : i32
    %dma_start3A_17 = tpu.memref_slice %arg3[%dma_start3A_15, %dma_start3A_16] : memref<262144x16xf32, #tpu.memory_space<hbm>> -> memref<262144x16xf32, #tpu.memory_space<hbm>>
    tpu.enqueue_indirect_dma source(%dma_start3A_17 : memref<262144x16xf32, #tpu.memory_space<hbm>>) target(%arg11 : memref<2048x16xf32, #tpu.memory_space<vmem>>) offsets(%arg9 : memref<2048xi32, #tpu.memory_space<vmem>>) semaphore(%arg14 : memref<!tpu.dma_semaphore, #tpu.memory_space<semaphore_mem>>)
    %dma_wait3A = arith.constant 0 : i32
    %dma_wait3A_18 = arith.constant 0 : i32
    %dma_wait3A_19 = tpu.memref_slice %arg2[%dma_wait3A, %dma_wait3A_18] : memref<262144x16xf32, #tpu.memory_space<hbm>> -> memref<262144x16xf32, #tpu.memory_space<hbm>>
    tpu.wait_indirect_dma semaphore(%arg13 : memref<!tpu.dma_semaphore, #tpu.memory_space<semaphore_mem>>) src(%dma_wait3A_19 : memref<262144x16xf32, #tpu.memory_space<hbm>>) dst(%arg10 : memref<2048x16xf32, #tpu.memory_space<vmem>>)
    %dma_wait3A_20 = arith.constant 0 : i32
    %dma_wait3A_21 = arith.constant 0 : i32
    %dma_wait3A_22 = tpu.memref_slice %arg3[%dma_wait3A_20, %dma_wait3A_21] : memref<262144x16xf32, #tpu.memory_space<hbm>> -> memref<262144x16xf32, #tpu.memory_space<hbm>>
    tpu.wait_indirect_dma semaphore(%arg14 : memref<!tpu.dma_semaphore, #tpu.memory_space<semaphore_mem>>) src(%dma_wait3A_22 : memref<262144x16xf32, #tpu.memory_space<hbm>>) dst(%arg11 : memref<2048x16xf32, #tpu.memory_space<vmem>>)
    %scan3A_23 = arith.constant 0 : i32
    %scan3A_24 = arith.constant 0 : i32
    %scan3A_25 = arith.constant 512 : i32
    %scan3A_26 = arith.addi %scan3A_24, %scan3A_25 : i32
    %scan3A_27 = arith.constant 1 : i32
    %scan3A_28 = scf.for %scan3A_32 = %scan3A_24 to %scan3A_26 step %scan3A_27 iter_args(%scan3A_33 = %scan3A_23) -> (i32)  : i32 {
      %mul3A_34 = arith.constant 4 : i32
      %mul3A_35 = arith.muli %scan3A_32, %mul3A_34 : i32
      %add3A_36 = arith.constant 0 : i32
      %add3A_37 = arith.addi %mul3A_35, %add3A_36 : i32
      %get3A = arith.index_cast %add3A_37 : i32 to index
      %get3A_38 = arith.constant 0 : index
      %get3A_39 = tpu.vector_load %arg10[%get3A, %get3A_38] {strides = array<i32>} : memref<2048x16xf32, #tpu.memory_space<vmem>>, vector<1x16xf32>,
      %get3A_40 = vector.shape_cast %get3A_39 : vector<1x16xf32> to vector<16xf32>
      %get3A_41 = arith.index_cast %add3A_37 : i32 to index
      %get3A_42 = arith.constant 0 : index
      %get3A_43 = tpu.vector_load %arg11[%get3A_41, %get3A_42] {strides = array<i32>} : memref<2048x16xf32, #tpu.memory_space<vmem>>, vector<1x16xf32>,
      %get3A_44 = vector.shape_cast %get3A_43 : vector<1x16xf32> to vector<16xf32>
      %add3A_45 = arith.addf %get3A_40, %get3A_44 : vector<16xf32>
      %swap3A = arith.index_cast %scan3A_32 : i32 to index
      %swap3A_46 = arith.constant 0 : index
      %swap3A_47 = tpu.vector_load %arg12[%swap3A, %swap3A_46] {strides = array<i32>} : memref<512x64xf32, #tpu.memory_space<vmem>>, vector<1x16xf32>,
      %swap3A_48 = vector.shape_cast %swap3A_47 : vector<1x16xf32> to vector<16xf32>
      %swap3A_49 = vector.shape_cast %add3A_45 : vector<16xf32> to vector<1x16xf32>
      tpu.vector_store %arg12[%swap3A, %swap3A_46], %swap3A_49 {strides = array<i32>} : memref<512x64xf32, #tpu.memory_space<vmem>>, vector<1x16xf32>,
      %mul3A_50 = arith.constant 4 : i32
      %mul3A_51 = arith.muli %scan3A_32, %mul3A_50 : i32
      %add3A_52 = arith.constant 1 : i32
      %add3A_53 = arith.addi %mul3A_51, %add3A_52 : i32
      %get3A_54 = arith.index_cast %add3A_53 : i32 to index
      %get3A_55 = arith.constant 0 : index
      %get3A_56 = tpu.vector_load %arg10[%get3A_54, %get3A_55] {strides = array<i32>} : memref<2048x16xf32, #tpu.memory_space<vmem>>, vector<1x16xf32>,
      %get3A_57 = vector.shape_cast %get3A_56 : vector<1x16xf32> to vector<16xf32>
      %get3A_58 = arith.index_cast %add3A_53 : i32 to index
      %get3A_59 = arith.constant 0 : index
      %get3A_60 = tpu.vector_load %arg11[%get3A_58, %get3A_59] {strides = array<i32>} : memref<2048x16xf32, #tpu.memory_space<vmem>>, vector<1x16xf32>,
      %get3A_61 = vector.shape_cast %get3A_60 : vector<1x16xf32> to vector<16xf32>
      %add3A_62 = arith.addf %get3A_57, %get3A_61 : vector<16xf32>
      %swap3A_63 = arith.index_cast %scan3A_32 : i32 to index
      %swap3A_64 = arith.constant 16 : index
      %swap3A_65 = tpu.vector_load %arg12[%swap3A_63, %swap3A_64] {strides = array<i32>} : memref<512x64xf32, #tpu.memory_space<vmem>>, vector<1x16xf32>,
      %swap3A_66 = vector.shape_cast %swap3A_65 : vector<1x16xf32> to vector<16xf32>
      %swap3A_67 = vector.shape_cast %add3A_62 : vector<16xf32> to vector<1x16xf32>
      tpu.vector_store %arg12[%swap3A_63, %swap3A_64], %swap3A_67 {strides = array<i32>} : memref<512x64xf32, #tpu.memory_space<vmem>>, vector<1x16xf32>,
      %mul3A_68 = arith.constant 4 : i32
      %mul3A_69 = arith.muli %scan3A_32, %mul3A_68 : i32
      %add3A_70 = arith.constant 2 : i32
      %add3A_71 = arith.addi %mul3A_69, %add3A_70 : i32
      %get3A_72 = arith.index_cast %add3A_71 : i32 to index
      %get3A_73 = arith.constant 0 : index
      %get3A_74 = tpu.vector_load %arg10[%get3A_72, %get3A_73] {strides = array<i32>} : memref<2048x16xf32, #tpu.memory_space<vmem>>, vector<1x16xf32>,
      %get3A_75 = vector.shape_cast %get3A_74 : vector<1x16xf32> to vector<16xf32>
      %get3A_76 = arith.index_cast %add3A_71 : i32 to index
      %get3A_77 = arith.constant 0 : index
      %get3A_78 = tpu.vector_load %arg11[%get3A_76, %get3A_77] {strides = array<i32>} : memref<2048x16xf32, #tpu.memory_space<vmem>>, vector<1x16xf32>,
      %get3A_79 = vector.shape_cast %get3A_78 : vector<1x16xf32> to vector<16xf32>
      %add3A_80 = arith.addf %get3A_75, %get3A_79 : vector<16xf32>
      %swap3A_81 = arith.index_cast %scan3A_32 : i32 to index
      %swap3A_82 = arith.constant 32 : index
      %swap3A_83 = tpu.vector_load %arg12[%swap3A_81, %swap3A_82] {strides = array<i32>} : memref<512x64xf32, #tpu.memory_space<vmem>>, vector<1x16xf32>,
      %swap3A_84 = vector.shape_cast %swap3A_83 : vector<1x16xf32> to vector<16xf32>
      %swap3A_85 = vector.shape_cast %add3A_80 : vector<16xf32> to vector<1x16xf32>
      tpu.vector_store %arg12[%swap3A_81, %swap3A_82], %swap3A_85 {strides = array<i32>} : memref<512x64xf32, #tpu.memory_space<vmem>>, vector<1x16xf32>,
      %mul3A_86 = arith.constant 4 : i32
      %mul3A_87 = arith.muli %scan3A_32, %mul3A_86 : i32
      %add3A_88 = arith.constant 3 : i32
      %add3A_89 = arith.addi %mul3A_87, %add3A_88 : i32
      %get3A_90 = arith.index_cast %add3A_89 : i32 to index
      %get3A_91 = arith.constant 0 : index
      %get3A_92 = tpu.vector_load %arg10[%get3A_90, %get3A_91] {strides = array<i32>} : memref<2048x16xf32, #tpu.memory_space<vmem>>, vector<1x16xf32>,
      %get3A_93 = vector.shape_cast %get3A_92 : vector<1x16xf32> to vector<16xf32>
      %get3A_94 = arith.index_cast %add3A_89 : i32 to index
      %get3A_95 = arith.constant 0 : index
      %get3A_96 = tpu.vector_load %arg11[%get3A_94, %get3A_95] {strides = array<i32>} : memref<2048x16xf32, #tpu.memory_space<vmem>>, vector<1x16xf32>,
      %get3A_97 = vector.shape_cast %get3A_96 : vector<1x16xf32> to vector<16xf32>
      %add3A_98 = arith.addf %get3A_93, %get3A_97 : vector<16xf32>
      %swap3A_99 = arith.index_cast %scan3A_32 : i32 to index
      %swap3A_100 = arith.constant 48 : index
      %swap3A_101 = tpu.vector_load %arg12[%swap3A_99, %swap3A_100] {strides = array<i32>} : memref<512x64xf32, #tpu.memory_space<vmem>>, vector<1x16xf32>,
      %swap3A_102 = vector.shape_cast %swap3A_101 : vector<1x16xf32> to vector<16xf32>
      %swap3A_103 = vector.shape_cast %add3A_98 : vector<16xf32> to vector<1x16xf32>
      tpu.vector_store %arg12[%swap3A_99, %swap3A_100], %swap3A_103 {strides = array<i32>} : memref<512x64xf32, #tpu.memory_space<vmem>>, vector<1x16xf32>,
      %scan3A_104 = arith.constant 0 : i32
      scf.yield %scan3A_104 : i32
    }
    %scan3A_29 = arith.constant 512 : i32
    %mul3A_30 = arith.constant 512 : i32
    %mul3A_31 = arith.muli %add3A, %mul3A_30 : i32
    "tpu.region"() ({
      %run_scoped3A = tpu.sem_alloc : memref<!tpu.dma_semaphore, #tpu.memory_space<semaphore_mem>>
      %dma_start3A_32 = arith.constant 0 : i32
      %dma_start3A_33 = tpu.memref_slice %arg5[%mul3A_31, %dma_start3A_32] : memref<16384x64xf32, #tpu.memory_space<hbm>> -> memref<512x64xf32, #tpu.memory_space<hbm>>
      %dma_start3A_34 = arith.constant 0 : i32
      %dma_start3A_35 = tpu.memref_slice %arg5[%mul3A_31, %dma_start3A_34] : memref<16384x64xf32, #tpu.memory_space<hbm>> -> memref<512x64xf32, #tpu.memory_space<hbm>>
      tpu.enqueue_dma source(%arg12 : memref<512x64xf32, #tpu.memory_space<vmem>>) target(%dma_start3A_35 : memref<512x64xf32, #tpu.memory_space<hbm>>) target_semaphore(%run_scoped3A : memref<!tpu.dma_semaphore, #tpu.memory_space<semaphore_mem>>)
      %dma_wait3A_36 = arith.constant 0 : i32
      %dma_wait3A_37 = tpu.memref_slice %arg5[%mul3A_31, %dma_wait3A_36] : memref<16384x64xf32, #tpu.memory_space<hbm>> -> memref<512x64xf32, #tpu.memory_space<hbm>>
      %dma_wait3A_38 = arith.constant 0 : i32
      %dma_wait3A_39 = tpu.memref_slice %arg5[%mul3A_31, %dma_wait3A_38] : memref<16384x64xf32, #tpu.memory_space<hbm>> -> memref<512x64xf32, #tpu.memory_space<hbm>>
      tpu.wait_dma2 semaphore(%run_scoped3A : memref<!tpu.dma_semaphore, #tpu.memory_space<semaphore_mem>>) src(%arg12 : memref<512x64xf32, #tpu.memory_space<vmem>>) dst(%dma_wait3A_39 : memref<512x64xf32, #tpu.memory_space<hbm>>)
      tpu.yield
    }) : () -> ()
    return
  }
}

</mosaic_0001>

<sc_bundles>
// kernel: _run.3.cloned.1.call-start
scs
__scs_entry_jumppad:
0x0: {  	(pc) =	sbr.rel $0x88, $3  }
0x1: {  	(tag) =	ssettag $0x0;
	lr =	simm.s32 $0x1  }
0x2: {  	[smem:$0x3F9C] =	sst lr;
	_ =	strace $0xD0000000  }
0x3: {  	_ = 	snop  }
0x4: {  	_ = 	snop  }
0x5: {  	_ = 	snop  }
0x6: {  	_ = 	snop  }
0x7: {  	_ = 	snop  }
__scs_overlays_trampoline_lowered:
0x8: {  	[smem:$0x3FAB] =	sst s0  }
0x9: {  	[smem:$0x3FAC] =	sst s1  }
0xa: {  	[smem:$0x3FAD] =	sst s2  }
0xb: {  	[smem:$0x3FAE] =	sst s3  }
0xc: {  	[smem:$0x3FAF] =	sst s4  }
0xd: {  	[smem:$0x3FB0] =	sst s5  }
0xe: {  	[smem:$0x3FB1] =	sst s6  }
0xf: {  	[smem:$0x3FB2] =	sst s7  }
0x10: {  	[smem:$0x3FB3] =	sst s8  }
0x11: {  	[smem:$0x3FB4] =	sst s9;
	s0 =	simm.s32 @!p0 $0x0  }
0x12: {  	s1 =	sld [smem:$0x3F9A];
	s0 =	simm.s32 @p0 $0x1  }
0x13: {  	[smem:$0x3FB5] =	sst s0;
	s0 =	simm.s32 @!p1 $0x0  }
0x14: {  	s2 =	sld [smem:$0x3F99];
	s0 =	simm.s32 @p1 $0x1  }
0x15: {  	[smem:$0x3FB6] =	sst s0;
	s0 =	simm.s32 @!p2 $0x0  }
0x16: {  	s3 =	sld [smem:$0x3FDB];
	s0 =	simm.s32 @p2 $0x1  }
0x17: {  	s4 =	simm.s32 $0x1BF5;
	[smem:$0x3FB8] =	sst s0  }
0x18: {  	s0 =	sld [smem:$0x3F9B];
	_ =	swait.ge [sflag:s4], $0x0  }
0x19: {  	s7 =	sld [smem:$0x3F9C]  }
0x1a: {  	s8 =	sadd.s32 $0xFFFFE003, lr  }
0x1b: {  	s9 =	sadd.s32 $0xFFFFFEF7, lr;
	s5 =	simm.s32 $0xFFFFFFFF;
	p2 =	slt.u32 s8, $0xFFFFF086  }
0x1c: {  	p1 =	slt.u32 s9, $0xF7A;
	s5 =	simm.s32 @!p2 $0x0  }
0x1d: {  	s5 =	simm.s32 @p1 $0x1;
	p0 =	seq.s32 s7, s2  }
0x1e: {  	s7 =	smul.u32 @!p0 $0xF7A, s2;
	p2 =	seq.s32 @!p0 s5, $0x0  }
0x1f: {  	s9 =	smul.u32 $0xF7A, s1;
	s8 =	simm.s32 @!p0 $0x1BF5;
	p2 =	por !p2, p0  }
0x20: {  	[sflag:s8] =	ssyncset.s32 @!p0 $0xFFFFF086;
	s6 =	sadd.s32 @!p0 s3, s7;
	s7 =	simm.s32 @!p0 $0x108  }
0x21: {  	s3 =	sadd.s32 s3, s9;
	s6 =	sadd.s32 @!p0 $0x88, s6;
	s7 =	simm.s32 @p2 $0x1082  }
0x22: {  	[simem:s7], [sflag:s8] =	dma.local @!p0 [hbm:s6], $0xF7A  }
0x23: {  	s9 =	sor.u32 $0xD0000000, s2;
	s6 =	simm.s32 $0x108;
	_ =	swait.ge @!p0 [sflag:s8], $0x0  }
0x24: {  	s3 =	sadd.s32 $0x88, s3;
	s6 =	simm.s32 @!p1 $0x1082;
	[sflag:s4] =	ssyncset.s32 $0xFFFFF086  }
0x25: {  	[simem:s6], [sflag:s4] =	dma.local [hbm:s3], $0xF7A  }
0x26: {  	[smem:$0x3F9C] =	sst s1;
	(tag) =	ssettag s2;
	_ =	strace s9  }
0x27: {  	s1 =	sld [smem:$0x3FAC]  }
0x28: {  	s2 =	sld [smem:$0x3FAD]  }
0x29: {  	s4 =	sld [smem:$0x3FAF]  }
0x2a: {  	p0 =	seq.s32 s5, $0x0;
	s5 =	sld [smem:$0x3FB0]  }
0x2b: {  	s6 =	sld [smem:$0x3FB1]  }
0x2c: {  	s7 =	sld [smem:$0x3FB2]  }
0x2d: {  	s3 =	simm.s32 $0x108;
	s8 =	sld [smem:$0x3FB3]  }
0x2e: {  	s3 =	simm.s32 @!p0 $0x1082;
	s9 =	sld [smem:$0x3FB4]  }
0x2f: {  	lr =	sadd.s32 s0, s3;
	s0 =	sld [smem:$0x3FAB]  }
0x30: {  	s3 =	sld [smem:$0x3FAE]  }
0x31: {  	[smem:$0x3FB7] =	sst s10  }
0x32: {  	s10 =	sld [smem:$0x3FB5];
	_ =	sdelay $0x3  }
0x33: {  	p0 =	seq.s32 s10, $0x1;
	s10 =	sld [smem:$0x3FB7];
	_ =	sdelay $0x3  }
0x34: {  	[smem:$0x3FB7] =	sst s10  }
0x35: {  	s10 =	sld [smem:$0x3FB6];
	_ =	sdelay $0x3  }
0x36: {  	p1 =	seq.s32 s10, $0x1;
	s10 =	sld [smem:$0x3FB7];
	_ =	sdelay $0x3  }
0x37: {  	[smem:$0x3FB7] =	sst s10  }
0x38: {  	s10 =	sld [smem:$0x3FB8]  }
0x39: {  	_ = 	snop;
	(pc) =	sbr.ind lr, $3  }
0x3a: {  	_ = 	snop  }
0x3b: {  	_ = 	snop  }
0x3c: {  	p2 =	seq.s32 s10, $0x1;
	s10 =	sld [smem:$0x3FB7]  }
0x3d: {  	_ =	shalt  }
0x3e: {  	_ =	shalt  }
0x3f: {  	_ =	shalt  }
0x40: {  	_ =	shalt  }
0x41: {  	_ =	shalt  }
0x42: {  	_ =	shalt  }
0x43: {  	_ =	shalt  }
0x44: {  	_ =	shalt  }
0x45: {  	_ =	shalt  }
0x46: {  	_ =	shalt  }
0x47: {  	_ =	shalt  }
0x48: {  	_ =	shalt  }
0x49: {  	_ =	shalt  }
0x4a: {  	_ =	shalt  }
0x4b: {  	_ =	shalt  }
0x4c: {  	_ =	shalt  }
0x4d: {  	_ =	shalt  }
0x4e: {  	_ =	shalt  }
0x4f: {  	_ =	shalt  }
0x50: {  	_ =	shalt  }
0x51: {  	_ =	shalt  }
0x52: {  	_ =	shalt  }
0x53: {  	_ =	shalt  }
0x54: {  	_ =	shalt  }
0x55: {  	_ =	shalt  }
0x56: {  	_ =	shalt  }
0x57: {  	_ =	shalt  }
0x58: {  	_ =	shalt  }
0x59: {  	_ =	shalt  }
0x5a: {  	_ =	shalt  }
0x5b: {  	_ =	shalt  }
0x5c: {  	_ =	shalt  }
0x5d: {  	_ =	shalt  }
0x5e: {  	_ =	shalt  }
0x5f: {  	_ =	shalt  }
0x60: {  	_ =	shalt  }
0x61: {  	_ =	shalt  }
0x62: {  	_ =	shalt  }
0x63: {  	_ =	shalt  }
0x64: {  	_ =	shalt  }
0x65: {  	_ =	shalt  }
0x66: {  	_ =	shalt  }
0x67: {  	_ =	shalt  }
0x68: {  	_ =	shalt  }
0x69: {  	_ =	shalt  }
0x6a: {  	_ =	shalt  }
0x6b: {  	_ =	shalt  }
0x6c: {  	_ =	shalt  }
0x6d: {  	_ =	shalt  }
0x6e: {  	_ =	shalt  }
0x6f: {  	_ =	shalt  }
0x70: {  	_ =	shalt  }
0x71: {  	_ =	shalt  }
0x72: {  	_ =	shalt  }
0x73: {  	_ =	shalt  }
0x74: {  	_ =	shalt  }
0x75: {  	_ =	shalt  }
0x76: {  	_ =	shalt  }
0x77: {  	_ =	shalt  }
0x78: {  	_ =	shalt  }
0x79: {  	_ =	shalt  }
0x7a: {  	_ =	shalt  }
0x7b: {  	_ =	shalt  }
0x7c: {  	_ =	shalt  }
0x7d: {  	_ =	shalt  }
0x7e: {  	_ =	shalt  }
0x7f: {  	_ =	shalt  }
0x80: {  	_ =	shalt  }
0x81: {  	_ =	shalt  }
0x82: {  	_ =	shalt  }
0x83: {  	_ =	shalt  }
0x84: {  	_ =	shalt  }
0x85: {  	_ =	shalt  }
0x86: {  	_ =	shalt  }
0x87: {  	_ =	shalt  }
.Lfunc_end0:
.L_simem_size_0:
called_computation.2_lowered:
.L_overlay_start_0:
0x88: {  	s2 =	sld [smem:$0x3FD9]  }
0x89: {  	s3 =	sld [smem:$0x3FFE];
	_ =	sdelay $0x1  }
0x8a: {  	s1 =	srdreg.scid  }
0x8b: {  	s0 =	sand.u32 $0x1, s1  }
0x8c: {  	s17 =	sshll.u32 s0, $0xA;
	s2 =	sadd.s32 s3, s2  }
0x8d: {  	s2 =	sadd.s32 s2, s17  }
0x8e: {  	[smem:$0x3FC3] =	sst s2  }
0x8f: {  	_ = 	snop  }
0x90: {  	s2 =	sld [smem:$0x3FD0];
	(tm) =	ssettm $0x1  }
0x91: {  	s18 =	sld [smem:$0x3FFB];
	_ =	sdelay $0x3  }
0x92: {  	_ =	strace s18  }
0x93: {  	s3 =	sld [smem:$0x3FFC];
	_ =	sdelay $0x3  }
0x94: {  	_ =	strace s3  }
0x95: {  	s3 =	sld [smem:$0x3FFD];
	_ =	sdelay $0x3  }
0x96: {  	_ =	strace s3  }
0x97: {  	_ =	strace $0x8FFFFFFF  }
0x98: {  	s19 =	sld [smem:$0x3FDB];
	_ =	sdelay $0x1  }
0x99: {  	s4 =	simm.s32 $_scs_section_size  }
0x9a: {  	s5 =	simm.s32 $_size__tile_overlayer_lowered;
	s6 =	simm.s32 $_tile_overlayer_lowered  }
0x9b: {  	s22 =	simm.s32 $0x1BFF;
	s21 =	sshll.u32 s6, $0x1;
	s3 =	sadd.s32 s4, s19  }
0x9c: {  	s7 =	simm.s32 $0x0;
	s20 =	sshll.u32 s5, $0x1;
	s5 =	sadd.s32 s21, s3  }
0x9d: {  	[timem:s7], [sflag:s22] =	dma.local [hbm:s5], s20  }
0x9e: {  	_ =	swait.ge [sflag:s22], s20  }
0x9f: {  	s4 =	ssub.s32 $0x0, s20;
	[sflag:s22] =	ssyncset.done $0x0  }
0xa0: {  	[sflag:s22] =	ssyncadd.s32 s4;
	_ =	sdelay $0x1  }
0xa1: {  	s23 =	simm.s32 $0x1B8B  }
0xa2: {  	_ =	swait.ge [sflag:s23], $0x1  }
0xa3: {  	[sflag:s23] =	ssyncset.done $0x0  }
0xa4: {  	s25 =	simm.s32 $0x1B8E;
	s24 =	sld [smem:$0x3FFE];
	[sflag:s23] =	ssyncadd.s32 $0xFFFFFFFF  }
0xa5: {  	s26 =	simm.s32 $execute0_lowered;
	[smem:$0x3FD2] =	sst s25  }
0xa6: {  	s5 =	sshll.u32 s26, $0x1;
	_ =	strace $0x8000004C;
	[dreg:$0x1] =	wrdreg $0xFFFFFFFF  }
0xa7: {  	s28 =	simm.s32 $_size_execute0_lowered;
	s3 =	sadd.s32 s3, s5;
	[dreg:$0x0] =	wrdreg $0x0  }
0xa8: {  	s5 =	sshll.u32 s28, $0x1;
	[dreg:$0x2] =	wrdreg s3  }
0xa9: {  	[dreg:$0x3] =	wrdreg s5  }
0xaa: {  	[dreg:$0x4] =	wrdreg $0xC0  }
0xab: {  	_ =	task [dreg:s7], $0x5FFFF  }
0xac: {  	[dreg:$0x1] =	wrdreg $0xFFFFFFFF  }
0xad: {  	[dreg:$0x0] =	wrdreg $0x60  }
0xae: {  	[dreg:$0x2] =	wrdreg s24  }
0xaf: {  	[dreg:$0x3] =	wrdreg s2  }
0xb0: {  	[dreg:$0x4] =	wrdreg $0x9  }
0xb1: {  	_ =	task.clear_ibuf [dreg:s7], $0x5FFFF;
	_ =	strace $0x9000004C  }
0xb2: {  	s29 =	simm.s32 $0x9;
	_ =	strace $0x8000004E  }
0xb3: {  	_ =	swait.ge [sflag:s29], $0x1  }
0xb4: {  	[sflag:s29] =	ssyncadd.s32 $0xFFFFFFFF  }
0xb5: {  	_ =	strace $0x9000004E  }
0xb6: {  	_ =	sfence  }
0xb7: {  	s30 =	sld [smem:$0x0];
	_ =	sdelay $0x2  }
0xb8: {  	s31 =	sshll.u32 s1, $0xD;
	s1 =	sshrl.u32 s1, $0x2  }
0xb9: {  	s3 =	sand.u32 $0x4000, s31;
	s1 =	sadd.s32 s1, s30  }
0xba: {  	s0 =	sor.u32 s3, s0;
	s1 =	sshll.u32 s1, $0x11  }
0xbb: {  	s0 =	sor.u32 s1, s0  }
0xbc: {  	s0 =	sadd.s32 $0x8F2B, s0  }
0xbd: {  	[sflag:s0] =	ssyncadd.remote.s32 $0x1  }
0xbe: {  	_ =	sfence.sel $0xFFFF  }
0xbf: {  	[dreg:$0x0] =	wrdreg $0xFFFFFFFF;
	(pc) =	sbr.abs _section_cstart, $3  }
0xc0: {  	[dreg:$0x1] =	wrdreg $0xFFFFFFFF  }
0xc1: {  	_ =	task.clear_ibuf [dreg:s7], $0x2FFFF;
	_ =	strace $0x9FFFFFFF  }
0xc2: {  	(tm) =	ssettm $0x7FFFFFFF  }
0xc3: {  	_ =	shalt  }
tec
execute0_lowered:
.L_overlay_start_1:
0x0: {  	(tag) =	ssettag $0x1  }
0x1: {  	s5 =	rddreg [dreg:$0x0]  }
0x2: {  	s7 =	rddreg [dreg:$0x1]  }
0x3: {  	s0 =	rddreg [dreg:$0x2]  }
0x4: {  	s2 =	simm.s32 $0x0;
	s3 =	srdreg.scid;
	s1 =	stileid.u32  }
0x5: {  	s11 =	simm.s32 $0x1000;
	s12 =	simm.s32 $0x2000;
	s13 =	simm.s32 $0x1800  }
0x6: {  	s14 =	simm.s32 $0xA000;
	s15 =	simm.s32 $0x1;
	s16 =	simm.s32 $0x2  }
0x7: {  	s17 =	simm.s32 $0x12000;
	s18 =	simm.s32 $0x0;
	[smem:$0x7FF] =	sst s2  }
0x8: {  	s3 =	sand.u32 $0x1, s3;
	s4 =	sshll.u32 s1, $0x1;
	_ =	strace $0x8000004D  }
0x9: {  	s8 =	sor.u32 s3, s4;
	s6 =	ssub.s32 $0x2, s3;
	s3 =	sadd.s32 $0x404E00, s5  }
0xa: {  	s4 =	sadd.s32 $0x484E00, s5;
	s9 =	sshll.u32 s8, $0x8;
	s10 =	sshrl.u32 s6, $0x1  }
0xb: {  	s8 =	sshll.u32 s8, $0xC;
	s9 =	sadd.s32 s9, s5;
	s10 =	ssub.s32 s6, s10  }
0xc: {  	v0 =	vlaneseq.u32;
	s7 =	sadd.s32 s7, s8;
	s5 =	sadd.s32 $0x2400, s9;
	s6 =	sadd.s32 $0x4400, s9  }
0xd: {  	v0 =	vand.u32 $0x3, v0;
	s8 =	smax.u32 s10, $0x1;
	s9 =	simm.s32 $0x3;
	s10 =	simm.s32 $0x800  }
.LBB2_1:
0xe: {  	[tilespmem:s2], [sflag:$0x3] =	stream.linear.gather [hbm4b:s5+s2], $0x800, $0x38;
	[tilespmem:$0x1A000] =	vst v63  }
0xf: {  	_ =	swait.ge [sflag:s9], $0x800  }
0x10: {  	[sflag:s9] =	ssyncset.done $0x0  }
0x11: {  	[sflag:s9] =	ssyncadd.s32 $0xFFFFF800  }
0x12: {  	[tilespmem:s10], [sflag:$0x3] =	stream.linear.gather [hbm4b:s6+s2], $0x800, $0x38;
	[tilespmem:$0x1A000] =	vst v63  }
0x13: {  	_ =	swait.ge [sflag:s9], $0x800  }
0x14: {  	[sflag:s9] =	ssyncset.done $0x0  }
0x15: {  	s19 =	simm.s32 $0x0;
	[sflag:s9] =	ssyncadd.s32 $0xFFFFF800  }
0x16: {  	v1 =	vld [tilespmem:s19+$0x800]  }
0x17: {  	v2 =	vld [tilespmem:s19+$0x0];
	_ =	sdelay $0x1  }
0x18: {  	s20 =	simm.s32 $0x40  }
.LBB2_2:
0x19: {  	p0 =	sne.s32 s20, $0x1FC0  }
.Ltmp0:
0x1a: {  	s21 =	sshra.s32 s20, $0x2;
	s20 =	sadd.s32 $0x40, s20;
	v3 =	vshll.u32 v1, $0x2;
	(pc) =	sbr.rel @p0 .LBB2_2-.Ltmp0, $4  }
0x1b: {  	v1 =	vld [tilespmem:s21+$0x800];
	v4 =	vshll.u32 v2, $0x2;
	v3 =	vand.u32 $0x3FFFC, v3  }
0x1c: {  	v2 =	vld [tilespmem:s21+$0x0];
	v4 =	vand.u32 $0x3FFFC, v4;
	v3 =	vor.u32 v0, v3  }
0x1d: {  	v4 =	vor.u32 v0, v4;
	[tilespmem:s19+$0x1800] =	vst v3  }
0x1e: {  	[tilespmem:s19+$0x1000] =	vst v4;
	s19 =	smov.u32 s21  }
0x1f: {  	_ = 	snop  }
0x20: {  	v1 =	vshll.u32 v1, $0x2  }
0x21: {  	v2 =	vshll.u32 v2, $0x2;
	v1 =	vand.u32 $0x3FFFC, v1  }
0x22: {  	v2 =	vand.u32 $0x3FFFC, v2;
	v1 =	vor.u32 v0, v1  }
0x23: {  	v2 =	vor.u32 v0, v2;
	[tilespmem:s19+$0x1800] =	vst v1  }
0x24: {  	[tilespmem:s19+$0x1000] =	vst v2  }
0x25: {  	[tilespmem:s12], [sflag:$0x1] =	stream.indirect.gather [hbm4b:s3+s10], $0x10, s11, s10, $0xb8;
	[tilespmem:$0x1A000] =	vst v63  }
0x26: {  	_ = 	snop  }
0x27: {  	[tilespmem:s14], [sflag:$0x2] =	stream.indirect.gather [hbm4b:s4+s10], $0x10, s13, s10, $0xb8;
	[tilespmem:$0x1A000] =	vst v63  }
0x28: {  	_ =	swait.ge [sflag:s15], $0x8000  }
0x29: {  	[sflag:s15] =	ssyncset.done $0x0  }
0x2a: {  	[sflag:s15] =	ssyncadd.s32 $0xFFFF8000  }
0x2b: {  	_ =	swait.ge [sflag:s16], $0x8000  }
0x2c: {  	[sflag:s16] =	ssyncset.done $0x0  }
0x2d: {  	s19 =	simm.s32 $0x0;
	[sflag:s16] =	ssyncadd.s32 $0xFFFF8000  }
0x2e: {  	v3 =	vld [tilespmem:s19+$0x2030]  }
0x2f: {  	v5 =	vld [tilespmem:s19+$0xA030]  }
0x30: {  	v6 =	vld [tilespmem:s19+$0x2000]  }
0x31: {  	v7 =	vld [tilespmem:s19+$0xA000]  }
0x32: {  	v2 =	vld [tilespmem:s19+$0x2010]  }
0x33: {  	v4 =	vld [tilespmem:s19+$0xA010]  }
0x34: {  	v1 =	vld [tilespmem:s19+$0x2020];
	v8 =	vadd.f32 v5, v3  }
0x35: {  	s20 =	simm.s32 $0x40;
	v5 =	vld [tilespmem:s19+$0xA020]  }
0x36: {  	s21 =	simm.s32 $0x200;
	v3 =	vld [tilespmem:s20+$0x2030];
	v6 =	vadd.f32 v7, v6;
	[tilespmem:s19+$0x12030] =	vst v8  }
.LBB2_4:
0x37: {  	p0 =	sne.s32 s21, $0x1FF00;
	v7 =	vld [tilespmem:s20+$0xA030]  }
0x38: {  	v8 =	vld [tilespmem:s20+$0x2000];
	[tilespmem:s19+$0x12000] =	vst v6;
	v4 =	vadd.f32 v4, v2  }
0x39: {  	v6 =	vld [tilespmem:s20+$0xA000]  }
.Ltmp1:
0x3a: {  	v2 =	vld [tilespmem:s20+$0x2010];
	[tilespmem:s19+$0x12010] =	vst v4;
	v5 =	vadd.f32 v5, v1;
	(pc) =	sbr.rel @p0 .LBB2_4-.Ltmp1, $4  }
0x3b: {  	v4 =	vld [tilespmem:s20+$0xA010]  }
0x3c: {  	v1 =	vld [tilespmem:s20+$0x2020];
	v7 =	vadd.f32 v7, v3;
	[tilespmem:s19+$0x12020] =	vst v5;
	s19 =	smov.u32 s20  }
0x3d: {  	s20 =	sshra.s32 s21, $0x2;
	v5 =	vld [tilespmem:s19+$0xA020]  }
0x3e: {  	s21 =	sadd.s32 $0x100, s21;
	v3 =	vld [tilespmem:s20+$0x2030];
	v6 =	vadd.f32 v6, v8;
	[tilespmem:s19+$0x12030] =	vst v7  }
0x3f: {  	v7 =	vld [tilespmem:s20+$0xA030]  }
0x40: {  	v8 =	vld [tilespmem:s20+$0x2000];
	[tilespmem:s19+$0x12000] =	vst v6;
	v2 =	vadd.f32 v4, v2  }
0x41: {  	v62 =	vld [tilespmem:s20+$0xA000]  }
0x42: {  	v6 =	vld [tilespmem:s20+$0x2010];
	[tilespmem:s19+$0x12010] =	vst v2;
	v1 =	vadd.f32 v5, v1  }
0x43: {  	v2 =	vld [tilespmem:s20+$0xA010]  }
0x44: {  	v63 =	vld [tilespmem:s20+$0x2020];
	[tilespmem:s19+$0x12020] =	vst v1  }
0x45: {  	v1 =	vld [tilespmem:s20+$0xA020];
	_ =	sdelay $0x1  }
0x46: {  	v3 =	vadd.f32 v7, v3  }
0x47: {  	v4 =	vadd.f32 v62, v8  }
0x48: {  	[tilespmem:s20+$0x12030] =	vst v3;
	v2 =	vadd.f32 v2, v6  }
0x49: {  	s18 =	sadd.s32 $0x1, s18;
	[tilespmem:s20+$0x12000] =	vst v4;
	v1 =	vadd.f32 v1, v63  }
0x4a: {  	p0 =	sne.s32 s18, s8;
	[tilespmem:s20+$0x12010] =	vst v2  }
.Ltmp2:
0x4b: {  	[tilespmem:s20+$0x12020] =	vst v1;
	(pc) =	sbr.rel @p0 .LBB2_1-.Ltmp2, $4  }
0x4c: {  	[hbm4b:s7+s2] =	stream.linear.scatter [tilespmem:s17], [sflag:$0x3], $0x8000, $0x38;
	[tilespmem:$0x1A000] =	vst v63  }
0x4d: {  	_ =	swait.ge [sflag:s9], $0x8000  }
0x4e: {  	[sflag:s9] =	ssyncset.done $0x0  }
0x4f: {  	[sflag:s9] =	ssyncadd.s32 $0xFFFF8000  }
0x50: {  	_ =	sfence.sel $0x180000  }
0x51: {  	[bflag:$0x0] =	sbarrier.arrive $0xFFFF  }
0x52: {  	p0 =	sne.s32 s1, $0x0;
	_ =	strace $0x9000004D  }
0x53: {  	s0 =	sadd.s32 @!p0 $0x100000, s0;
	[bflag:$0x2] =	sbarrier.arrive $0xFFFF  }
0x54: {  	[sflag:s0] =	ssyncadd.tile.s32 @!p0 $0x1;
	_ =	shalt  }
.Lfunc_end2:
_tile_overlayer_lowered:
.L_overlay_start_2:
0x55: {  	(tag) =	ssettag $0x2  }
0x56: {  	s0 =	rddreg [dreg:$0x0];
	s2 =	stileid.u32  }
0x57: {  	s1 =	rddreg [dreg:$0x1];
	p0 =	sne.s32 s2, $0x0  }
0x58: {  	s3 =	rddreg [dreg:$0x2];
	[bflag:$0x3] =	sbarrier.arrive $0xFFFF;
	s2 =	simm.s32 @!p0 $0x1C03  }
0x59: {  	[timem:s3], [sflag:s2] =	dma.local @!p0 [hbm:s0], s1  }
0x5a: {  	s0 =	simm.s32 @!p0 $0x3  }
0x5b: {  	_ =	swait.ge @!p0 [sflag:s0], s1  }
0x5c: {  	s1 =	ssub.s32 @!p0 $0x0, s1;
	[sflag:s0] =	ssyncset.done @!p0 $0x0  }
0x5d: {  	[sflag:s0] =	ssyncadd.s32 @!p0 s1  }
0x5e: {  	[bflag:$0x3] =	sbarrier.arrive $0xFFFF  }
0x5f: {  	_ =	shalt  }

// kernel: gather_offload_async_start.1
scs
__scs_entry_jumppad:
0x0: {  	(pc) =	sbr.rel $0x88, $3  }
0x1: {  	(tag) =	ssettag $0x0;
	lr =	simm.s32 $0x1  }
0x2: {  	[smem:$0x3F9C] =	sst lr;
	_ =	strace $0xD0000000  }
0x3: {  	_ = 	snop  }
0x4: {  	_ = 	snop  }
0x5: {  	_ = 	snop  }
0x6: {  	_ = 	snop  }
0x7: {  	_ = 	snop  }
__scs_overlays_trampoline_lowered:
0x8: {  	[smem:$0x3FAB] =	sst s0  }
0x9: {  	[smem:$0x3FAC] =	sst s1  }
0xa: {  	[smem:$0x3FAD] =	sst s2  }
0xb: {  	[smem:$0x3FAE] =	sst s3  }
0xc: {  	[smem:$0x3FAF] =	sst s4  }
0xd: {  	[smem:$0x3FB0] =	sst s5  }
0xe: {  	[smem:$0x3FB1] =	sst s6  }
0xf: {  	[smem:$0x3FB2] =	sst s7  }
0x10: {  	[smem:$0x3FB3] =	sst s8  }
0x11: {  	[smem:$0x3FB4] =	sst s9;
	s0 =	simm.s32 @!p0 $0x0  }
0x12: {  	s1 =	sld [smem:$0x3F9A];
	s0 =	simm.s32 @p0 $0x1  }
0x13: {  	[smem:$0x3FB5] =	sst s0;
	s0 =	simm.s32 @!p1 $0x0  }
0x14: {  	s2 =	sld [smem:$0x3F99];
	s0 =	simm.s32 @p1 $0x1  }
0x15: {  	[smem:$0x3FB6] =	sst s0;
	s0 =	simm.s32 @!p2 $0x0  }
0x16: {  	s3 =	sld [smem:$0x3FDB];
	s0 =	simm.s32 @p2 $0x1  }
0x17: {  	s4 =	simm.s32 $0x1BF5;
	[smem:$0x3FB8] =	sst s0  }
0x18: {  	s0 =	sld [smem:$0x3F9B];
	_ =	swait.ge [sflag:s4], $0x0  }
0x19: {  	s7 =	sld [smem:$0x3F9C]  }
0x1a: {  	s8 =	sadd.s32 $0xFFFFE003, lr  }
0x1b: {  	s9 =	sadd.s32 $0xFFFFFEF7, lr;
	s5 =	simm.s32 $0xFFFFFFFF;
	p2 =	slt.u32 s8, $0xFFFFF086  }
0x1c: {  	p1 =	slt.u32 s9, $0xF7A;
	s5 =	simm.s32 @!p2 $0x0  }
0x1d: {  	s5 =	simm.s32 @p1 $0x1;
	p0 =	seq.s32 s7, s2  }
0x1e: {  	s7 =	smul.u32 @!p0 $0xF7A, s2;
	p2 =	seq.s32 @!p0 s5, $0x0  }
0x1f: {  	s9 =	smul.u32 $0xF7A, s1;
	s8 =	simm.s32 @!p0 $0x1BF5;
	p2 =	por !p2, p0  }
0x20: {  	[sflag:s8] =	ssyncset.s32 @!p0 $0xFFFFF086;
	s6 =	sadd.s32 @!p0 s3, s7;
	s7 =	simm.s32 @!p0 $0x108  }
0x21: {  	s3 =	sadd.s32 s3, s9;
	s6 =	sadd.s32 @!p0 $0x88, s6;
	s7 =	simm.s32 @p2 $0x1082  }
0x22: {  	[simem:s7], [sflag:s8] =	dma.local @!p0 [hbm:s6], $0xF7A  }
0x23: {  	s9 =	sor.u32 $0xD0000000, s2;
	s6 =	simm.s32 $0x108;
	_ =	swait.ge @!p0 [sflag:s8], $0x0  }
0x24: {  	s3 =	sadd.s32 $0x88, s3;
	s6 =	simm.s32 @!p1 $0x1082;
	[sflag:s4] =	ssyncset.s32 $0xFFFFF086  }
0x25: {  	[simem:s6], [sflag:s4] =	dma.local [hbm:s3], $0xF7A  }
0x26: {  	[smem:$0x3F9C] =	sst s1;
	(tag) =	ssettag s2;
	_ =	strace s9  }
0x27: {  	s1 =	sld [smem:$0x3FAC]  }
0x28: {  	s2 =	sld [smem:$0x3FAD]  }
0x29: {  	s4 =	sld [smem:$0x3FAF]  }
0x2a: {  	p0 =	seq.s32 s5, $0x0;
	s5 =	sld [smem:$0x3FB0]  }
0x2b: {  	s6 =	sld [smem:$0x3FB1]  }
0x2c: {  	s7 =	sld [smem:$0x3FB2]  }
0x2d: {  	s3 =	simm.s32 $0x108;
	s8 =	sld [smem:$0x3FB3]  }
0x2e: {  	s3 =	simm.s32 @!p0 $0x1082;
	s9 =	sld [smem:$0x3FB4]  }
0x2f: {  	lr =	sadd.s32 s0, s3;
	s0 =	sld [smem:$0x3FAB]  }
0x30: {  	s3 =	sld [smem:$0x3FAE]  }
0x31: {  	[smem:$0x3FB7] =	sst s10  }
0x32: {  	s10 =	sld [smem:$0x3FB5];
	_ =	sdelay $0x3  }
0x33: {  	p0 =	seq.s32 s10, $0x1;
	s10 =	sld [smem:$0x3FB7];
	_ =	sdelay $0x3  }
0x34: {  	[smem:$0x3FB7] =	sst s10  }
0x35: {  	s10 =	sld [smem:$0x3FB6];
	_ =	sdelay $0x3  }
0x36: {  	p1 =	seq.s32 s10, $0x1;
	s10 =	sld [smem:$0x3FB7];
	_ =	sdelay $0x3  }
0x37: {  	[smem:$0x3FB7] =	sst s10  }
0x38: {  	s10 =	sld [smem:$0x3FB8]  }
0x39: {  	_ = 	snop;
	(pc) =	sbr.ind lr, $3  }
0x3a: {  	_ = 	snop  }
0x3b: {  	_ = 	snop  }
0x3c: {  	p2 =	seq.s32 s10, $0x1;
	s10 =	sld [smem:$0x3FB7]  }
0x3d: {  	_ =	shalt  }
0x3e: {  	_ =	shalt  }
0x3f: {  	_ =	shalt  }
0x40: {  	_ =	shalt  }
0x41: {  	_ =	shalt  }
0x42: {  	_ =	shalt  }
0x43: {  	_ =	shalt  }
0x44: {  	_ =	shalt  }
0x45: {  	_ =	shalt  }
0x46: {  	_ =	shalt  }
0x47: {  	_ =	shalt  }
0x48: {  	_ =	shalt  }
0x49: {  	_ =	shalt  }
0x4a: {  	_ =	shalt  }
0x4b: {  	_ =	shalt  }
0x4c: {  	_ =	shalt  }
0x4d: {  	_ =	shalt  }
0x4e: {  	_ =	shalt  }
0x4f: {  	_ =	shalt  }
0x50: {  	_ =	shalt  }
0x51: {  	_ =	shalt  }
0x52: {  	_ =	shalt  }
0x53: {  	_ =	shalt  }
0x54: {  	_ =	shalt  }
0x55: {  	_ =	shalt  }
0x56: {  	_ =	shalt  }
0x57: {  	_ =	shalt  }
0x58: {  	_ =	shalt  }
0x59: {  	_ =	shalt  }
0x5a: {  	_ =	shalt  }
0x5b: {  	_ =	shalt  }
0x5c: {  	_ =	shalt  }
0x5d: {  	_ =	shalt  }
0x5e: {  	_ =	shalt  }
0x5f: {  	_ =	shalt  }
0x60: {  	_ =	shalt  }
0x61: {  	_ =	shalt  }
0x62: {  	_ =	shalt  }
0x63: {  	_ =	shalt  }
0x64: {  	_ =	shalt  }
0x65: {  	_ =	shalt  }
0x66: {  	_ =	shalt  }
0x67: {  	_ =	shalt  }
0x68: {  	_ =	shalt  }
0x69: {  	_ =	shalt  }
0x6a: {  	_ =	shalt  }
0x6b: {  	_ =	shalt  }
0x6c: {  	_ =	shalt  }
0x6d: {  	_ =	shalt  }
0x6e: {  	_ =	shalt  }
0x6f: {  	_ =	shalt  }
0x70: {  	_ =	shalt  }
0x71: {  	_ =	shalt  }
0x72: {  	_ =	shalt  }
0x73: {  	_ =	shalt  }
0x74: {  	_ =	shalt  }
0x75: {  	_ =	shalt  }
0x76: {  	_ =	shalt  }
0x77: {  	_ =	shalt  }
0x78: {  	_ =	shalt  }
0x79: {  	_ =	shalt  }
0x7a: {  	_ =	shalt  }
0x7b: {  	_ =	shalt  }
0x7c: {  	_ =	shalt  }
0x7d: {  	_ =	shalt  }
0x7e: {  	_ =	shalt  }
0x7f: {  	_ =	shalt  }
0x80: {  	_ =	shalt  }
0x81: {  	_ =	shalt  }
0x82: {  	_ =	shalt  }
0x83: {  	_ =	shalt  }
0x84: {  	_ =	shalt  }
0x85: {  	_ =	shalt  }
0x86: {  	_ =	shalt  }
0x87: {  	_ =	shalt  }
.Lfunc_end0:
.L_simem_size_0:
called_computation.1_lowered:
.L_overlay_start_0:
0x88: {  	s2 =	sld [smem:$0x3FD9]  }
0x89: {  	s3 =	sld [smem:$0x3FFE];
	_ =	sdelay $0x1  }
0x8a: {  	s1 =	srdreg.scid  }
0x8b: {  	s0 =	sand.u32 $0x1, s1  }
0x8c: {  	s17 =	sshll.u32 s0, $0xA;
	s2 =	sadd.s32 s3, s2  }
0x8d: {  	s2 =	sadd.s32 s2, s17  }
0x8e: {  	[smem:$0x3FC3] =	sst s2  }
0x8f: {  	_ = 	snop  }
0x90: {  	s4 =	sld [smem:$0x3FC5]  }
0x91: {  	s18 =	sld [smem:$0x3FD0];
	(tm) =	ssettm $0x1  }
0x92: {  	s19 =	sld [smem:$0x3FFB];
	_ =	sdelay $0x3  }
0x93: {  	_ =	strace s19  }
0x94: {  	s2 =	sld [smem:$0x3FFC];
	_ =	sdelay $0x3  }
0x95: {  	_ =	strace s2  }
0x96: {  	s2 =	sld [smem:$0x3FFD];
	_ =	sdelay $0x3  }
0x97: {  	_ =	strace s2  }
0x98: {  	_ =	strace $0x8FFFFFFF  }
0x99: {  	s20 =	sld [smem:$0x3FDB];
	_ =	sdelay $0x1  }
0x9a: {  	s5 =	simm.s32 $_scs_section_size  }
0x9b: {  	s6 =	simm.s32 $_size__tile_overlayer_lowered;
	s7 =	simm.s32 $_tile_overlayer_lowered  }
0x9c: {  	s8 =	simm.s32 $0x1BFF;
	s21 =	sshll.u32 s7, $0x1;
	s5 =	sadd.s32 s5, s20  }
0x9d: {  	s22 =	simm.s32 $0x0;
	s6 =	sshll.u32 s6, $0x1;
	s7 =	sadd.s32 s21, s5  }
0x9e: {  	[timem:s22], [sflag:s8] =	dma.local [hbm:s7], s6  }
0x9f: {  	_ =	swait.ge [sflag:s8], s6  }
0xa0: {  	s6 =	ssub.s32 $0x0, s6;
	[sflag:s8] =	ssyncset.done $0x0  }
0xa1: {  	[sflag:s8] =	ssyncadd.s32 s6;
	_ =	sdelay $0x1  }
0xa2: {  	s23 =	simm.s32 $0x1B8B  }
0xa3: {  	_ =	swait.ge [sflag:s23], $0x1  }
0xa4: {  	[sflag:s23] =	ssyncset.done $0x0  }
0xa5: {  	[sflag:s23] =	ssyncadd.s32 $0xFFFFFFFF  }
0xa6: {  	s6 =	sld [smem:$0x0]  }
0xa7: {  	s7 =	sand.u32 $0xFFFFFFFE, s1  }
0xa8: {  	p0 =	sne.s32 s1, s7  }
0xa9: {  	s7 =	sshll.u32 @p0 s7, $0xE  }
0xaa: {  	s7 =	sadd.s32 @p0 $0x11B8D, s7;
	s8 =	sshll.u32 @p0 s6, $0x11  }
0xab: {  	s7 =	sor.u32 @p0 s8, s7  }
0xac: {  	[sflag:s7] =	ssyncadd.remote.s32 @p0 $0x1;
	_ =	sdelay $0x1  }
0xad: {  	s7 =	simm.s32 @p0 $0x1B8D  }
0xae: {  	_ =	swait.eq @p0 [sflag:s7], $0x1  }
0xaf: {  	[sflag:s7] =	ssyncadd.s32 @p0 $0xFFFFFFFF  }
0xb0: {  	s8 =	sshll.u32 @!p0 s1, $0xE  }
0xb1: {  	s8 =	sor.u32 @!p0 $0x4000, s8;
	s7 =	simm.s32 @!p0 $0x1B8D  }
0xb2: {  	s6 =	sshll.u32 @!p0 s6, $0x11;
	s8 =	sadd.s32 @!p0 $0x11B8D, s8;
	_ =	swait.eq @!p0 [sflag:s7], $0x1  }
0xb3: {  	s6 =	sor.u32 @!p0 s6, s8;
	[sflag:s7] =	ssyncadd.s32 @!p0 $0xFFFFFFFF  }
0xb4: {  	s25 =	simm.s32 $0x1B8E;
	s24 =	sld [smem:$0x3FFE];
	[sflag:s6] =	ssyncadd.remote.s32 @!p0 $0x1  }
0xb5: {  	s26 =	simm.s32 $execute0_lowered;
	[smem:$0x3FD2] =	sst s25  }
0xb6: {  	s7 =	sshll.u32 s26, $0x1;
	_ =	strace $0x80000049;
	[dreg:$0x1] =	wrdreg $0xFFFFFFFF  }
0xb7: {  	s28 =	simm.s32 $_size_execute0_lowered;
	s5 =	sadd.s32 s5, s7;
	[dreg:$0x0] =	wrdreg $0x0  }
0xb8: {  	s7 =	sshll.u32 s28, $0x1;
	[dreg:$0x2] =	wrdreg s5  }
0xb9: {  	[dreg:$0x3] =	wrdreg s7  }
0xba: {  	[dreg:$0x4] =	wrdreg $0xC0  }
0xbb: {  	_ =	task [dreg:s22], $0x5FFFF  }
0xbc: {  	[dreg:$0x1] =	wrdreg $0xFFFFFFFF  }
0xbd: {  	[dreg:$0x0] =	wrdreg $0x60  }
0xbe: {  	[dreg:$0x2] =	wrdreg s4  }
0xbf: {  	[dreg:$0x3] =	wrdreg s24  }
0xc0: {  	[dreg:$0x4] =	wrdreg s18  }
0xc1: {  	[dreg:$0x5] =	wrdreg $0xA  }
0xc2: {  	_ =	task.clear_ibuf [dreg:s22], $0x6FFFF;
	_ =	strace $0x90000049  }
0xc3: {  	s29 =	simm.s32 $0xA;
	_ =	strace $0x8000004B  }
0xc4: {  	_ =	swait.ge [sflag:s29], $0x1  }
0xc5: {  	[sflag:s29] =	ssyncadd.s32 $0xFFFFFFFF  }
0xc6: {  	_ =	strace $0x9000004B  }
0xc7: {  	_ =	sfence  }
0xc8: {  	s30 =	sld [smem:$0x0];
	_ =	sdelay $0x2  }
0xc9: {  	s31 =	sshll.u32 s1, $0xD;
	s1 =	sshrl.u32 s1, $0x2  }
0xca: {  	s4 =	sand.u32 $0x4000, s31;
	s1 =	sadd.s32 s1, s30  }
0xcb: {  	s0 =	sor.u32 s4, s0;
	s1 =	sshll.u32 s1, $0x11  }
0xcc: {  	s0 =	sor.u32 s1, s0  }
0xcd: {  	s0 =	sadd.s32 $0x8F2B, s0  }
0xce: {  	[sflag:s0] =	ssyncadd.remote.s32 $0x1  }
0xcf: {  	_ =	sfence.sel $0xFFFF  }
0xd0: {  	[dreg:$0x0] =	wrdreg $0xFFFFFFFF;
	(pc) =	sbr.abs _section_cstart, $3  }
0xd1: {  	[dreg:$0x1] =	wrdreg $0xFFFFFFFF  }
0xd2: {  	_ =	task.clear_ibuf [dreg:s22], $0x2FFFF;
	_ =	strace $0x9FFFFFFF  }
0xd3: {  	(tm) =	ssettm $0x7FFFFFFF  }
tec
execute0_lowered:
.L_overlay_start_1:
0x0: {  	(tag) =	ssettag $0x1  }
0x1: {  	s2 =	rddreg [dreg:$0x0]  }
0x2: {  	s7 =	rddreg [dreg:$0x1];
	s0 =	srdreg.scid  }
0x3: {  	s3 =	rddreg [dreg:$0x2];
	s1 =	stileid.u32;
	s6 =	simm.s32 $0x2  }
0x4: {  	s11 =	simm.s32 $0x3;
	s12 =	simm.s32 $0x0;
	s4 =	sshll.u32 s0, $0x9  }
0x5: {  	s0 =	rddreg [dreg:$0x3];
	s5 =	sshll.u32 s1, $0xA;
	s4 =	sand.u32 $0x200, s4  }
0x6: {  	_ =	strace $0x8000004A;
	s4 =	sor.u32 s5, s4;
	s5 =	simm.s32 $0x1  }
0x7: {  	s8 =	sshrl.u32 s4, $0x3;
	s9 =	ssub.s32 $0x4000, s4;
	[sflag:s5] =	ssyncpa.u1 $0x0  }
.Ltmp0:
0x8: {  	s10 =	sand.u32 $0x3E00, s9;
	[sflag:s6] =	ssyncpa.u1 $0x0;
	(pc) =	sbr.rel .LBB2_1-.Ltmp0, $4  }
0x9: {  	s9 =	sshrl.u32 s9, $0xE;
	p0 =	sne.s32 s10, $0x0;
	s10 =	simm.s32 $0x1  }
0xa: {  	s8 =	sadd.s32 s8, s7;
	[sflag:s11] =	ssyncpa.u1 $0x0;
	s10 =	simm.s32 @!p0 $0x0  }
0xb: {  	s8 =	sadd.s32 $0x2400, s8;
	s11 =	simm.s32 $0x0;
	s7 =	sadd.s32 s10, s9  }
0xc: {  	vm0 =	vmmov $0xffff;
	p0 =	por $0x0, $0x0;
	s10 =	simm.s32 $0x0;
	s9 =	sadd.s32 $0x1, s7  }
.LBB2_4:
0xd: {  	_ =	sdelay $0x3  }
0xe: {  	[tilespmem:s20], [sflag:$0x1] =	stream.indirect_vreg.gather [hbm4b:s2+s10], $0x1, v0, vm0, $0x4038;
	[tilespmem:$0x1400] =	vst v63  }
0xf: {  	s14 =	sadd.s32 s17, s14  }
0x10: {  	v0 =	vld.msk [tilespmem:s14+$0x0 ss:$0x1], $0xffff;
	_ =	sdelay $0x4  }
0x11: {  	vm1 =	vgt.s32 v0, $0x0  }
0x12: {  	v0 =	vnsel vm1, $0x0, v0  }
0x13: {  	v0 =	vmin.u32 v0, $0xF423F  }
0x14: {  	v1 =	vshll.u32 v0, $0x2  }
0x15: {  	v0 =	vand.u32 $0x7F, v0;
	v1 =	vand.u32 $0x3FFE00, v1  }
0x16: {  	v0 =	vor.u32 v0, v1;
	_ =	sdelay $0x1  }
0x17: {  	s28 =	sand.u32 $0x600, s16  }
0x18: {  	s15 =	sand.u32 $0x70, s15;
	(ifvalue) =	ssetifvalue $0x7FFFFFFF;
	s14 =	sadd.s32 s28, s13;
	v1 =	vor.u32 $0x80, v0  }
0x19: {  	s14 =	sadd.s32 s15, s14;
	(ifvalue) =	ssetifvalue $0x7FFFFFFF  }
0x1a: {  	[tilespmem:s14], [sflag:$0x1] =	stream.indirect_vreg.gather [hbm4b:s2+s10], $0x1, v0, vm0, $0x4038;
	[tilespmem:$0x1400] =	vst v63  }
0x1b: {  	v2 =	vor.u32 $0x100, v0;
	(ifvalue) =	ssetifvalue $0x7FFFFFFF  }
0x1c: {  	s15 =	sadd.s32 $0x80, s14;
	(ifvalue) =	ssetifvalue $0x7FFFFFFF  }
0x1d: {  	[tilespmem:s15], [sflag:$0x1] =	stream.indirect_vreg.gather [hbm4b:s2+s10], $0x1, v1, vm0, $0x4038;
	[tilespmem:$0x1400] =	vst v63  }
0x1e: {  	v0 =	vor.u32 $0x180, v0;
	(ifvalue) =	ssetifvalue $0x7FFFFFFF  }
0x1f: {  	s29 =	sadd.s32 $0x100, s14;
	(ifvalue) =	ssetifvalue $0x7FFFFFFF  }
0x20: {  	[tilespmem:s29], [sflag:$0x1] =	stream.indirect_vreg.gather [hbm4b:s2+s10], $0x1, v2, vm0, $0x4038;
	[tilespmem:$0x1400] =	vst v63  }
0x21: {  	(ifvalue) =	ssetifvalue $0x7FFFFFFF  }
0x22: {  	s30 =	sshll.u32 s12, $0x2;
	s14 =	sadd.s32 $0x180, s14;
	(ifvalue) =	ssetifvalue $0x7FFFFFFF  }
0x23: {  	[tilespmem:s14], [sflag:$0x1] =	stream.indirect_vreg.gather [hbm4b:s2+s10], $0x1, v0, vm0, $0x4038;
	[tilespmem:$0x1400] =	vst v63  }
0x24: {  	s31 =	sand.u32 $0x78, s12;
	s14 =	sand.u32 $0x7FFFFE00, s30  }
0x25: {  	_ =	swait.ge [sflag:s5], $0x800;
	s12 =	sor.u32 s31, s14  }
0x26: {  	[sflag:s5] =	ssyncset.done $0x0;
	s12 =	sshrl.u32 s12, $0x3  }
0x27: {  	[sflag:s5] =	ssyncadd.s32 $0xFFFFF800;
	s12 =	sadd.s32 s3, s12  }
0x28: {  	[hbm:s12] =	stream.linear.scatter [tilespmem:s13], [sflag:$0x3], $0x800, $0x38;
	[tilespmem:$0x1400] =	vst v63  }
.LBB2_5:
0x29: {  	p2 =	sne.s32 s11, s9  }
.Ltmp1:
0x2a: {  	p1 =	slt.u32 s11, $0x2;
	(pc) =	sbr.rel @!p2 .LBB2_6-.Ltmp1, $4  }
0x2b: {  	s12 =	simm.s32 @!p1 $0x3  }
0x2c: {  	_ =	swait.ge @!p1 [sflag:s12], $0x800  }
0x2d: {  	s13 =	sadd.s32 $0x1, s11;
	p0 =	por !p0, !p0;
	[sflag:s12] =	ssyncset.done @!p1 $0x0  }
0x2e: {  	s11 =	smov.u32 s13;
	[sflag:s12] =	ssyncadd.s32 @!p1 $0xFFFFF800;
	s12 =	smov.u32 s4  }
.LBB2_1:
0x2f: {  	p1 =	sge.u32 s11, s7  }
0x30: {  	s13 =	sxor.u32 @!p1 $0xFFFFFFFF, s11  }
0x31: {  	s13 =	sshll.u32 @!p1 s13, $0x9  }
0x32: {  	s31 =	sadd.s32 $0xFFFFFFFF, s11;
	s14 =	simm.s32 @!p1 $0x0;
	s13 =	sand.u32 @!p1 $0x200, s13  }
0x33: {  	[tilespmem:s13], [sflag:$0x2] =	stream.linear.gather @!p1 [hbm4b:s8+s14], $0x200, $0x38;
	[tilespmem:$0x1400] =	vst v63  }
0x34: {  	p1 =	sge.u32 s31, s7  }
.Ltmp2:
0x35: {  	_ = 	snop;
	(pc) =	sbr.rel @p1 .LBB2_5-.Ltmp2, $1  }
0x36: {  	_ =	sdelay $0x3  }
0x37: {  	s13 =	simm.s32 $0x1  }
0x38: {  	_ =	swait.ge [sflag:s6], $0x200;
	s13 =	simm.s32 @!p0 $0x0  }
0x39: {  	[sflag:s6] =	ssyncset.done $0x0;
	s14 =	sshll.u32 s13, $0x9  }
0x3a: {  	[sflag:s6] =	ssyncadd.s32 $0xFFFFFE00;
	s13 =	sadd.s32 $0x0, s14  }
0x3b: {  	v0 =	vld.msk [tilespmem:s13+$0x0 ss:$0x1], $0xffff;
	_ =	sdelay $0x4  }
0x3c: {  	vm1 =	vgt.s32 v0, $0x0  }
0x3d: {  	v0 =	vnsel vm1, $0x0, v0  }
0x3e: {  	v0 =	vmin.u32 v0, $0xF423F  }
0x3f: {  	v1 =	vshll.u32 v0, $0x2  }
0x40: {  	v0 =	vand.u32 $0x7F, v0;
	v1 =	vand.u32 $0x3FFE00, v1  }
0x41: {  	s31 =	sshll.u32 s11, $0xB;
	v0 =	vor.u32 v0, v1  }
0x42: {  	s15 =	simm.s32 $0x0;
	s13 =	sand.u32 $0x800, s31  }
0x43: {  	s16 =	sand.u32 $0x600, s15;
	s13 =	sor.u32 $0x400, s13  }
0x44: {  	s15 =	sand.u32 $0x70, s15;
	(ifvalue) =	ssetifvalue $0x7FFFFFFF;
	s16 =	sadd.s32 s16, s13;
	v1 =	vor.u32 $0x80, v0  }
0x45: {  	(ifvalue) =	ssetifvalue $0x7FFFFFFF;
	s20 =	sadd.s32 s15, s16  }
0x46: {  	[tilespmem:s20], [sflag:$0x1] =	stream.indirect_vreg.gather [hbm4b:s2+s10], $0x1, v0, vm0, $0x4038;
	[tilespmem:$0x1400] =	vst v63  }
0x47: {  	v2 =	vor.u32 $0x100, v0;
	(ifvalue) =	ssetifvalue $0x7FFFFFFF  }
0x48: {  	s15 =	sadd.s32 $0x80, s20;
	(ifvalue) =	ssetifvalue $0x7FFFFFFF  }
0x49: {  	[tilespmem:s15], [sflag:$0x1] =	stream.indirect_vreg.gather [hbm4b:s2+s10], $0x1, v1, vm0, $0x4038;
	[tilespmem:$0x1400] =	vst v63  }
0x4a: {  	s18 =	simm.s32 $0x20;
	v0 =	vor.u32 $0x180, v0;
	(ifvalue) =	ssetifvalue $0x7FFFFFFF  }
0x4b: {  	s19 =	simm.s32 $0x80;
	s17 =	sadd.s32 $0x100, s20;
	(ifvalue) =	ssetifvalue $0x7FFFFFFF  }
0x4c: {  	[tilespmem:s17], [sflag:$0x1] =	stream.indirect_vreg.gather [hbm4b:s2+s10], $0x1, v2, vm0, $0x4038;
	[tilespmem:$0x1400] =	vst v63  }
0x4d: {  	s16 =	simm.s32 $0x40;
	s20 =	sadd.s32 $0x180, s20;
	(ifvalue) =	ssetifvalue $0x7FFFFFFF  }
0x4e: {  	s15 =	simm.s32 $0x10;
	s17 =	simm.s32 $0x10;
	(ifvalue) =	ssetifvalue $0x7FFFFFFF  }
.LBB2_3:
0x4f: {  	[tilespmem:s20], [sflag:$0x1] =	stream.indirect_vreg.gather [hbm4b:s2+s10], $0x1, v0, vm0, $0x4038;
	[tilespmem:$0x1400] =	vst v63  }
0x50: {  	p1 =	sne.s32 s18, $0x1F0;
	s20 =	sadd.s32 s17, s14;
	s17 =	sshra.s32 s19, $0x2  }
0x51: {  	v0 =	vld.msk [tilespmem:s20+$0x0 ss:$0x1], $0xffff;
	s20 =	smov.u32 s18;
	s18 =	sadd.s32 $0x10, s18  }
0x52: {  	(ifvalue) =	ssetifvalue $0x7FFFFFFF;
	_ =	sdelay $0x4  }
0x53: {  	vm1 =	vgt.s32 v0, $0x0  }
0x54: {  	v0 =	vnsel vm1, $0x0, v0  }
0x55: {  	v0 =	vmin.u32 v0, $0xF423F  }
0x56: {  	v1 =	vshll.u32 v0, $0x2  }
0x57: {  	v0 =	vand.u32 $0x7F, v0;
	v1 =	vand.u32 $0x3FFE00, v1  }
0x58: {  	v0 =	vor.u32 v0, v1;
	_ =	sdelay $0x1  }
0x59: {  	s21 =	sand.u32 $0x600, s16;
	s16 =	smov.u32 s19  }
0x5a: {  	s22 =	sand.u32 $0x70, s15;
	s21 =	sadd.s32 s21, s13;
	s15 =	smov.u32 s20;
	v1 =	vor.u32 $0x80, v0  }
0x5b: {  	s20 =	sadd.s32 s22, s21;
	(ifvalue) =	ssetifvalue $0x7FFFFFFF  }
0x5c: {  	[tilespmem:s20], [sflag:$0x1] =	stream.indirect_vreg.gather [hbm4b:s2+s10], $0x1, v0, vm0, $0x4038;
	[tilespmem:$0x1400] =	vst v63  }
0x5d: {  	v2 =	vor.u32 $0x100, v0;
	(ifvalue) =	ssetifvalue $0x7FFFFFFF  }
0x5e: {  	s21 =	sadd.s32 $0x80, s20;
	(ifvalue) =	ssetifvalue $0x7FFFFFFF  }
0x5f: {  	[tilespmem:s21], [sflag:$0x1] =	stream.indirect_vreg.gather [hbm4b:s2+s10], $0x1, v1, vm0, $0x4038;
	[tilespmem:$0x1400] =	vst v63  }
.Ltmp3:
0x60: {  	v0 =	vor.u32 $0x180, v0;
	(ifvalue) =	ssetifvalue $0x7FFFFFFF;
	(pc) =	sbr.rel @p1 .LBB2_3-.Ltmp3, $4  }
0x61: {  	s21 =	sadd.s32 $0x100, s20;
	(ifvalue) =	ssetifvalue $0x7FFFFFFF  }
0x62: {  	[tilespmem:s21], [sflag:$0x1] =	stream.indirect_vreg.gather [hbm4b:s2+s10], $0x1, v2, vm0, $0x4038;
	[tilespmem:$0x1400] =	vst v63  }
0x63: {  	(ifvalue) =	ssetifvalue $0x7FFFFFFF  }
0x64: {  	s19 =	sadd.s32 $0x40, s19;
	s20 =	sadd.s32 $0x180, s20;
	(ifvalue) =	ssetifvalue $0x7FFFFFFF  }
.Ltmp4:
0x65: {  	_ = 	snop;
	(pc) =	sbr.rel .LBB2_4-.Ltmp4, $1  }
0x66: {  	_ =	sdelay $0x3  }
.LBB2_6:
0x67: {  	_ =	sfence.sel $0x180000  }
0x68: {  	s2 =	simm.s32 $0x2;
	[bflag:$0x0] =	sbarrier.arrive $0xFFFF  }
0x69: {  	s30 =	simm.s32 $0x3;
	[sflag:s2] =	ssyncpa.u1 $0x1  }
0x6a: {  	s31 =	simm.s32 $0x1;
	[sflag:s30] =	ssyncpa.u1 $0x1  }
0x6b: {  	[sflag:s31] =	ssyncpa.u1 $0x1  }
0x6c: {  	p0 =	sne.s32 s1, $0x0;
	_ =	strace $0x9000004A  }
0x6d: {  	s0 =	sadd.s32 @!p0 $0x100000, s0;
	[bflag:$0x2] =	sbarrier.arrive $0xFFFF  }
0x6e: {  	[sflag:s0] =	ssyncadd.tile.s32 @!p0 $0x1;
	_ =	shalt  }
.Lfunc_end2:
_tile_overlayer_lowered:
.L_overlay_start_2:
0x6f: {  	(tag) =	ssettag $0x2  }
0x70: {  	s0 =	rddreg [dreg:$0x0];
	s2 =	stileid.u32  }
0x71: {  	s1 =	rddreg [dreg:$0x1];
	p0 =	sne.s32 s2, $0x0  }
0x72: {  	s3 =	rddreg [dreg:$0x2];
	[bflag:$0x3] =	sbarrier.arrive $0xFFFF;
	s2 =	simm.s32 @!p0 $0x1C01  }
0x73: {  	[timem:s3], [sflag:s2] =	dma.local @!p0 [hbm:s0], s1  }
0x74: {  	s0 =	simm.s32 @!p0 $0x1  }
0x75: {  	_ =	swait.ge @!p0 [sflag:s0], s1  }
0x76: {  	s1 =	ssub.s32 @!p0 $0x0, s1;
	[sflag:s0] =	ssyncset.done @!p0 $0x0  }
0x77: {  	[sflag:s0] =	ssyncadd.s32 @!p0 s1  }
0x78: {  	[bflag:$0x3] =	sbarrier.arrive $0xFFFF  }
0x79: {  	_ =	shalt  }

// kernel: gather_offload_async_start
scs
__scs_entry_jumppad:
0x0: {  	(pc) =	sbr.rel $0x88, $3  }
0x1: {  	(tag) =	ssettag $0x0;
	lr =	simm.s32 $0x1  }
0x2: {  	[smem:$0x3F9C] =	sst lr;
	_ =	strace $0xD0000000  }
0x3: {  	_ = 	snop  }
0x4: {  	_ = 	snop  }
0x5: {  	_ = 	snop  }
0x6: {  	_ = 	snop  }
0x7: {  	_ = 	snop  }
__scs_overlays_trampoline_lowered:
0x8: {  	[smem:$0x3FAB] =	sst s0  }
0x9: {  	[smem:$0x3FAC] =	sst s1  }
0xa: {  	[smem:$0x3FAD] =	sst s2  }
0xb: {  	[smem:$0x3FAE] =	sst s3  }
0xc: {  	[smem:$0x3FAF] =	sst s4  }
0xd: {  	[smem:$0x3FB0] =	sst s5  }
0xe: {  	[smem:$0x3FB1] =	sst s6  }
0xf: {  	[smem:$0x3FB2] =	sst s7  }
0x10: {  	[smem:$0x3FB3] =	sst s8  }
0x11: {  	[smem:$0x3FB4] =	sst s9;
	s0 =	simm.s32 @!p0 $0x0  }
0x12: {  	s1 =	sld [smem:$0x3F9A];
	s0 =	simm.s32 @p0 $0x1  }
0x13: {  	[smem:$0x3FB5] =	sst s0;
	s0 =	simm.s32 @!p1 $0x0  }
0x14: {  	s2 =	sld [smem:$0x3F99];
	s0 =	simm.s32 @p1 $0x1  }
0x15: {  	[smem:$0x3FB6] =	sst s0;
	s0 =	simm.s32 @!p2 $0x0  }
0x16: {  	s3 =	sld [smem:$0x3FDB];
	s0 =	simm.s32 @p2 $0x1  }
0x17: {  	s4 =	simm.s32 $0x1BF5;
	[smem:$0x3FB8] =	sst s0  }
0x18: {  	s0 =	sld [smem:$0x3F9B];
	_ =	swait.ge [sflag:s4], $0x0  }
0x19: {  	s7 =	sld [smem:$0x3F9C]  }
0x1a: {  	s8 =	sadd.s32 $0xFFFFE003, lr  }
0x1b: {  	s9 =	sadd.s32 $0xFFFFFEF7, lr;
	s5 =	simm.s32 $0xFFFFFFFF;
	p2 =	slt.u32 s8, $0xFFFFF086  }
0x1c: {  	p1 =	slt.u32 s9, $0xF7A;
	s5 =	simm.s32 @!p2 $0x0  }
0x1d: {  	s5 =	simm.s32 @p1 $0x1;
	p0 =	seq.s32 s7, s2  }
0x1e: {  	s7 =	smul.u32 @!p0 $0xF7A, s2;
	p2 =	seq.s32 @!p0 s5, $0x0  }
0x1f: {  	s9 =	smul.u32 $0xF7A, s1;
	s8 =	simm.s32 @!p0 $0x1BF5;
	p2 =	por !p2, p0  }
0x20: {  	[sflag:s8] =	ssyncset.s32 @!p0 $0xFFFFF086;
	s6 =	sadd.s32 @!p0 s3, s7;
	s7 =	simm.s32 @!p0 $0x108  }
0x21: {  	s3 =	sadd.s32 s3, s9;
	s6 =	sadd.s32 @!p0 $0x88, s6;
	s7 =	simm.s32 @p2 $0x1082  }
0x22: {  	[simem:s7], [sflag:s8] =	dma.local @!p0 [hbm:s6], $0xF7A  }
0x23: {  	s9 =	sor.u32 $0xD0000000, s2;
	s6 =	simm.s32 $0x108;
	_ =	swait.ge @!p0 [sflag:s8], $0x0  }
0x24: {  	s3 =	sadd.s32 $0x88, s3;
	s6 =	simm.s32 @!p1 $0x1082;
	[sflag:s4] =	ssyncset.s32 $0xFFFFF086  }
0x25: {  	[simem:s6], [sflag:s4] =	dma.local [hbm:s3], $0xF7A  }
0x26: {  	[smem:$0x3F9C] =	sst s1;
	(tag) =	ssettag s2;
	_ =	strace s9  }
0x27: {  	s1 =	sld [smem:$0x3FAC]  }
0x28: {  	s2 =	sld [smem:$0x3FAD]  }
0x29: {  	s4 =	sld [smem:$0x3FAF]  }
0x2a: {  	p0 =	seq.s32 s5, $0x0;
	s5 =	sld [smem:$0x3FB0]  }
0x2b: {  	s6 =	sld [smem:$0x3FB1]  }
0x2c: {  	s7 =	sld [smem:$0x3FB2]  }
0x2d: {  	s3 =	simm.s32 $0x108;
	s8 =	sld [smem:$0x3FB3]  }
0x2e: {  	s3 =	simm.s32 @!p0 $0x1082;
	s9 =	sld [smem:$0x3FB4]  }
0x2f: {  	lr =	sadd.s32 s0, s3;
	s0 =	sld [smem:$0x3FAB]  }
0x30: {  	s3 =	sld [smem:$0x3FAE]  }
0x31: {  	[smem:$0x3FB7] =	sst s10  }
0x32: {  	s10 =	sld [smem:$0x3FB5];
	_ =	sdelay $0x3  }
0x33: {  	p0 =	seq.s32 s10, $0x1;
	s10 =	sld [smem:$0x3FB7];
	_ =	sdelay $0x3  }
0x34: {  	[smem:$0x3FB7] =	sst s10  }
0x35: {  	s10 =	sld [smem:$0x3FB6];
	_ =	sdelay $0x3  }
0x36: {  	p1 =	seq.s32 s10, $0x1;
	s10 =	sld [smem:$0x3FB7];
	_ =	sdelay $0x3  }
0x37: {  	[smem:$0x3FB7] =	sst s10  }
0x38: {  	s10 =	sld [smem:$0x3FB8]  }
0x39: {  	_ = 	snop;
	(pc) =	sbr.ind lr, $3  }
0x3a: {  	_ = 	snop  }
0x3b: {  	_ = 	snop  }
0x3c: {  	p2 =	seq.s32 s10, $0x1;
	s10 =	sld [smem:$0x3FB7]  }
0x3d: {  	_ =	shalt  }
0x3e: {  	_ =	shalt  }
0x3f: {  	_ =	shalt  }
0x40: {  	_ =	shalt  }
0x41: {  	_ =	shalt  }
0x42: {  	_ =	shalt  }
0x43: {  	_ =	shalt  }
0x44: {  	_ =	shalt  }
0x45: {  	_ =	shalt  }
0x46: {  	_ =	shalt  }
0x47: {  	_ =	shalt  }
0x48: {  	_ =	shalt  }
0x49: {  	_ =	shalt  }
0x4a: {  	_ =	shalt  }
0x4b: {  	_ =	shalt  }
0x4c: {  	_ =	shalt  }
0x4d: {  	_ =	shalt  }
0x4e: {  	_ =	shalt  }
0x4f: {  	_ =	shalt  }
0x50: {  	_ =	shalt  }
0x51: {  	_ =	shalt  }
0x52: {  	_ =	shalt  }
0x53: {  	_ =	shalt  }
0x54: {  	_ =	shalt  }
0x55: {  	_ =	shalt  }
0x56: {  	_ =	shalt  }
0x57: {  	_ =	shalt  }
0x58: {  	_ =	shalt  }
0x59: {  	_ =	shalt  }
0x5a: {  	_ =	shalt  }
0x5b: {  	_ =	shalt  }
0x5c: {  	_ =	shalt  }
0x5d: {  	_ =	shalt  }
0x5e: {  	_ =	shalt  }
0x5f: {  	_ =	shalt  }
0x60: {  	_ =	shalt  }
0x61: {  	_ =	shalt  }
0x62: {  	_ =	shalt  }
0x63: {  	_ =	shalt  }
0x64: {  	_ =	shalt  }
0x65: {  	_ =	shalt  }
0x66: {  	_ =	shalt  }
0x67: {  	_ =	shalt  }
0x68: {  	_ =	shalt  }
0x69: {  	_ =	shalt  }
0x6a: {  	_ =	shalt  }
0x6b: {  	_ =	shalt  }
0x6c: {  	_ =	shalt  }
0x6d: {  	_ =	shalt  }
0x6e: {  	_ =	shalt  }
0x6f: {  	_ =	shalt  }
0x70: {  	_ =	shalt  }
0x71: {  	_ =	shalt  }
0x72: {  	_ =	shalt  }
0x73: {  	_ =	shalt  }
0x74: {  	_ =	shalt  }
0x75: {  	_ =	shalt  }
0x76: {  	_ =	shalt  }
0x77: {  	_ =	shalt  }
0x78: {  	_ =	shalt  }
0x79: {  	_ =	shalt  }
0x7a: {  	_ =	shalt  }
0x7b: {  	_ =	shalt  }
0x7c: {  	_ =	shalt  }
0x7d: {  	_ =	shalt  }
0x7e: {  	_ =	shalt  }
0x7f: {  	_ =	shalt  }
0x80: {  	_ =	shalt  }
0x81: {  	_ =	shalt  }
0x82: {  	_ =	shalt  }
0x83: {  	_ =	shalt  }
0x84: {  	_ =	shalt  }
0x85: {  	_ =	shalt  }
0x86: {  	_ =	shalt  }
0x87: {  	_ =	shalt  }
.Lfunc_end0:
.L_simem_size_0:
called_computation_lowered:
.L_overlay_start_0:
0x88: {  	s2 =	sld [smem:$0x3FD9]  }
0x89: {  	s3 =	sld [smem:$0x3FFE];
	_ =	sdelay $0x1  }
0x8a: {  	s1 =	srdreg.scid  }
0x8b: {  	s0 =	sand.u32 $0x1, s1  }
0x8c: {  	s17 =	sshll.u32 s0, $0xA;
	s2 =	sadd.s32 s3, s2  }
0x8d: {  	s2 =	sadd.s32 s2, s17  }
0x8e: {  	[smem:$0x3FC3] =	sst s2  }
0x8f: {  	_ = 	snop  }
0x90: {  	s2 =	sld [smem:$0x3FC6];
	(tm) =	ssettm $0x1  }
0x91: {  	s18 =	sld [smem:$0x3FFB];
	_ =	sdelay $0x3  }
0x92: {  	_ =	strace s18  }
0x93: {  	s3 =	sld [smem:$0x3FFC];
	_ =	sdelay $0x3  }
0x94: {  	_ =	strace s3  }
0x95: {  	s3 =	sld [smem:$0x3FFD];
	_ =	sdelay $0x3  }
0x96: {  	_ =	strace s3  }
0x97: {  	_ =	strace $0x8FFFFFFF  }
0x98: {  	s19 =	sld [smem:$0x3FDB];
	_ =	sdelay $0x1  }
0x99: {  	s4 =	simm.s32 $_scs_section_size  }
0x9a: {  	s5 =	simm.s32 $_size__tile_overlayer_lowered;
	s6 =	simm.s32 $_tile_overlayer_lowered  }
0x9b: {  	s22 =	simm.s32 $0x1BFF;
	s21 =	sshll.u32 s6, $0x1;
	s3 =	sadd.s32 s4, s19  }
0x9c: {  	s7 =	simm.s32 $0x0;
	s20 =	sshll.u32 s5, $0x1;
	s5 =	sadd.s32 s21, s3  }
0x9d: {  	[timem:s7], [sflag:s22] =	dma.local [hbm:s5], s20  }
0x9e: {  	_ =	swait.ge [sflag:s22], s20  }
0x9f: {  	s4 =	ssub.s32 $0x0, s20;
	[sflag:s22] =	ssyncset.done $0x0  }
0xa0: {  	[sflag:s22] =	ssyncadd.s32 s4;
	_ =	sdelay $0x1  }
0xa1: {  	s23 =	simm.s32 $0x1B8B  }
0xa2: {  	_ =	swait.ge [sflag:s23], $0x1  }
0xa3: {  	[sflag:s23] =	ssyncset.done $0x0  }
0xa4: {  	s25 =	simm.s32 $0x1B8E;
	s24 =	sld [smem:$0x3FFE];
	[sflag:s23] =	ssyncadd.s32 $0xFFFFFFFF  }
0xa5: {  	s26 =	simm.s32 $execute0_lowered;
	[smem:$0x3FD2] =	sst s25  }
0xa6: {  	s5 =	sshll.u32 s26, $0x1;
	_ =	strace $0x80000046;
	[dreg:$0x1] =	wrdreg $0xFFFFFFFF  }
0xa7: {  	s28 =	simm.s32 $_size_execute0_lowered;
	s3 =	sadd.s32 s3, s5;
	[dreg:$0x0] =	wrdreg $0x0  }
0xa8: {  	s5 =	sshll.u32 s28, $0x1;
	[dreg:$0x2] =	wrdreg s3  }
0xa9: {  	[dreg:$0x3] =	wrdreg s5  }
0xaa: {  	[dreg:$0x4] =	wrdreg $0xC0  }
0xab: {  	_ =	task [dreg:s7], $0x5FFFF  }
0xac: {  	[dreg:$0x1] =	wrdreg $0xFFFFFFFF  }
0xad: {  	[dreg:$0x0] =	wrdreg $0x60  }
0xae: {  	[dreg:$0x2] =	wrdreg s2  }
0xaf: {  	[dreg:$0x3] =	wrdreg s24  }
0xb0: {  	[dreg:$0x4] =	wrdreg $0x9  }
0xb1: {  	_ =	task.clear_ibuf [dreg:s7], $0x5FFFF;
	_ =	strace $0x90000046  }
0xb2: {  	s29 =	simm.s32 $0x9;
	_ =	strace $0x80000048  }
0xb3: {  	_ =	swait.ge [sflag:s29], $0x1  }
0xb4: {  	[sflag:s29] =	ssyncadd.s32 $0xFFFFFFFF  }
0xb5: {  	_ =	strace $0x90000048  }
0xb6: {  	_ =	sfence  }
0xb7: {  	s30 =	sld [smem:$0x0];
	_ =	sdelay $0x2  }
0xb8: {  	s31 =	sshll.u32 s1, $0xD;
	s1 =	sshrl.u32 s1, $0x2  }
0xb9: {  	s3 =	sand.u32 $0x4000, s31;
	s1 =	sadd.s32 s1, s30  }
0xba: {  	s0 =	sor.u32 s3, s0;
	s1 =	sshll.u32 s1, $0x11  }
0xbb: {  	s0 =	sor.u32 s1, s0  }
0xbc: {  	s0 =	sadd.s32 $0x8F2B, s0  }
0xbd: {  	[sflag:s0] =	ssyncadd.remote.s32 $0x1  }
0xbe: {  	_ =	sfence.sel $0xFFFF  }
0xbf: {  	[dreg:$0x0] =	wrdreg $0xFFFFFFFF;
	(pc) =	sbr.abs _section_cstart, $3  }
0xc0: {  	[dreg:$0x1] =	wrdreg $0xFFFFFFFF  }
0xc1: {  	_ =	task.clear_ibuf [dreg:s7], $0x2FFFF;
	_ =	strace $0x9FFFFFFF  }
0xc2: {  	(tm) =	ssettm $0x7FFFFFFF  }
0xc3: {  	_ =	shalt  }
tec
execute0_lowered:
.L_overlay_start_1:
0x0: {  	(tag) =	ssettag $0x1  }
0x1: {  	s1 =	srdreg.scid  }
0x2: {  	s2 =	rddreg [dreg:$0x0];
	s0 =	stileid.u32  }
0x3: {  	s6 =	rddreg [dreg:$0x1];
	s5 =	simm.s32 $0x2;
	s1 =	sshll.u32 s1, $0x9  }
0x4: {  	s10 =	simm.s32 $0x3;
	s3 =	sshll.u32 s0, $0xA;
	s4 =	sand.u32 $0x200, s1  }
0x5: {  	s12 =	simm.s32 $0x0;
	s11 =	simm.s32 $0x0;
	s3 =	sor.u32 s3, s4  }
0x6: {  	s1 =	rddreg [dreg:$0x2];
	_ =	strace $0x80000047;
	s4 =	sshrl.u32 s3, $0x3  }
0x7: {  	s7 =	ssub.s32 $0x4000, s3;
	s8 =	sadd.s32 s4, s6;
	s4 =	simm.s32 $0x1  }
.Ltmp0:
0x8: {  	s9 =	sand.u32 $0x3E00, s7;
	s7 =	sshrl.u32 s7, $0xE;
	(pc) =	sbr.rel .LBB2_1-.Ltmp0, $4  }
0x9: {  	s6 =	sadd.s32 $0x2C00, s6;
	p0 =	sne.s32 s9, $0x0;
	s9 =	simm.s32 $0x1  }
0xa: {  	[sflag:s4] =	ssyncpa.u1 $0x0;
	s8 =	sadd.s32 $0x2400, s8;
	s9 =	simm.s32 @!p0 $0x0  }
0xb: {  	[sflag:s5] =	ssyncpa.u1 $0x0;
	p0 =	por $0x0, $0x0;
	s7 =	sadd.s32 s9, s7  }
0xc: {  	vm0 =	vmmov $0xffff;
	[sflag:s10] =	ssyncpa.u1 $0x0;
	s10 =	simm.s32 $0x0;
	s9 =	sadd.s32 $0x1, s7  }
.LBB2_4:
0xd: {  	_ =	sdelay $0x3  }
0xe: {  	[tilespmem:s20], [sflag:$0x1] =	stream.indirect_vreg.gather [hbm4b:s2+s10], $0x1, v0, vm0, $0x4038;
	[tilespmem:$0x1400] =	vst v63  }
0xf: {  	s14 =	sadd.s32 s17, s14  }
0x10: {  	v0 =	vld.msk [tilespmem:s14+$0x0 ss:$0x1], $0xffff;
	_ =	sdelay $0x4  }
0x11: {  	vm1 =	vgt.s32 v0, $0x0  }
0x12: {  	v0 =	vnsel vm1, $0x0, v0  }
0x13: {  	v0 =	vmin.u32 v0, $0xF423F  }
0x14: {  	v1 =	vshll.u32 v0, $0x2  }
0x15: {  	v0 =	vand.u32 $0x7F, v0;
	v1 =	vand.u32 $0x3FFE00, v1  }
0x16: {  	v0 =	vor.u32 v0, v1;
	_ =	sdelay $0x1  }
0x17: {  	s28 =	sand.u32 $0x600, s16  }
0x18: {  	s15 =	sand.u32 $0x70, s15;
	(ifvalue) =	ssetifvalue $0x7FFFFFFF;
	s14 =	sadd.s32 s28, s13;
	v1 =	vor.u32 $0x80, v0  }
0x19: {  	s14 =	sadd.s32 s15, s14;
	(ifvalue) =	ssetifvalue $0x7FFFFFFF  }
0x1a: {  	[tilespmem:s14], [sflag:$0x1] =	stream.indirect_vreg.gather [hbm4b:s2+s10], $0x1, v0, vm0, $0x4038;
	[tilespmem:$0x1400] =	vst v63  }
0x1b: {  	v2 =	vor.u32 $0x100, v0;
	(ifvalue) =	ssetifvalue $0x7FFFFFFF  }
0x1c: {  	s15 =	sadd.s32 $0x80, s14;
	(ifvalue) =	ssetifvalue $0x7FFFFFFF  }
0x1d: {  	[tilespmem:s15], [sflag:$0x1] =	stream.indirect_vreg.gather [hbm4b:s2+s10], $0x1, v1, vm0, $0x4038;
	[tilespmem:$0x1400] =	vst v63  }
0x1e: {  	v0 =	vor.u32 $0x180, v0;
	(ifvalue) =	ssetifvalue $0x7FFFFFFF  }
0x1f: {  	s29 =	sadd.s32 $0x100, s14;
	(ifvalue) =	ssetifvalue $0x7FFFFFFF  }
0x20: {  	[tilespmem:s29], [sflag:$0x1] =	stream.indirect_vreg.gather [hbm4b:s2+s10], $0x1, v2, vm0, $0x4038;
	[tilespmem:$0x1400] =	vst v63  }
0x21: {  	(ifvalue) =	ssetifvalue $0x7FFFFFFF  }
0x22: {  	s30 =	sshll.u32 s12, $0x2;
	s14 =	sadd.s32 $0x180, s14;
	(ifvalue) =	ssetifvalue $0x7FFFFFFF  }
0x23: {  	[tilespmem:s14], [sflag:$0x1] =	stream.indirect_vreg.gather [hbm4b:s2+s10], $0x1, v0, vm0, $0x4038;
	[tilespmem:$0x1400] =	vst v63  }
0x24: {  	s31 =	sand.u32 $0x78, s12;
	s14 =	sand.u32 $0x7FFFFE00, s30  }
0x25: {  	_ =	swait.ge [sflag:s4], $0x800;
	s12 =	sor.u32 s31, s14  }
0x26: {  	[sflag:s4] =	ssyncset.done $0x0;
	s12 =	sshrl.u32 s12, $0x3  }
0x27: {  	[sflag:s4] =	ssyncadd.s32 $0xFFFFF800;
	s12 =	sadd.s32 s6, s12  }
0x28: {  	[hbm:s12] =	stream.linear.scatter [tilespmem:s13], [sflag:$0x3], $0x800, $0x38;
	[tilespmem:$0x1400] =	vst v63  }
.LBB2_5:
0x29: {  	p2 =	sne.s32 s11, s9  }
.Ltmp1:
0x2a: {  	p1 =	slt.u32 s11, $0x2;
	(pc) =	sbr.rel @!p2 .LBB2_6-.Ltmp1, $4  }
0x2b: {  	s12 =	simm.s32 @!p1 $0x3  }
0x2c: {  	_ =	swait.ge @!p1 [sflag:s12], $0x800  }
0x2d: {  	s13 =	sadd.s32 $0x1, s11;
	p0 =	por !p0, !p0;
	[sflag:s12] =	ssyncset.done @!p1 $0x0  }
0x2e: {  	s11 =	smov.u32 s13;
	[sflag:s12] =	ssyncadd.s32 @!p1 $0xFFFFF800;
	s12 =	smov.u32 s3  }
.LBB2_1:
0x2f: {  	p1 =	sge.u32 s11, s7  }
0x30: {  	s13 =	sxor.u32 @!p1 $0xFFFFFFFF, s11  }
0x31: {  	s13 =	sshll.u32 @!p1 s13, $0x9  }
0x32: {  	s31 =	sadd.s32 $0xFFFFFFFF, s11;
	s14 =	simm.s32 @!p1 $0x0;
	s13 =	sand.u32 @!p1 $0x200, s13  }
0x33: {  	[tilespmem:s13], [sflag:$0x2] =	stream.linear.gather @!p1 [hbm4b:s8+s14], $0x200, $0x38;
	[tilespmem:$0x1400] =	vst v63  }
0x34: {  	p1 =	sge.u32 s31, s7  }
.Ltmp2:
0x35: {  	_ = 	snop;
	(pc) =	sbr.rel @p1 .LBB2_5-.Ltmp2, $1  }
0x36: {  	_ =	sdelay $0x3  }
0x37: {  	s13 =	simm.s32 $0x1  }
0x38: {  	_ =	swait.ge [sflag:s5], $0x200;
	s13 =	simm.s32 @!p0 $0x0  }
0x39: {  	[sflag:s5] =	ssyncset.done $0x0;
	s14 =	sshll.u32 s13, $0x9  }
0x3a: {  	[sflag:s5] =	ssyncadd.s32 $0xFFFFFE00;
	s13 =	sadd.s32 $0x0, s14  }
0x3b: {  	v0 =	vld.msk [tilespmem:s13+$0x0 ss:$0x1], $0xffff;
	_ =	sdelay $0x4  }
0x3c: {  	vm1 =	vgt.s32 v0, $0x0  }
0x3d: {  	v0 =	vnsel vm1, $0x0, v0  }
0x3e: {  	v0 =	vmin.u32 v0, $0xF423F  }
0x3f: {  	v1 =	vshll.u32 v0, $0x2  }
0x40: {  	v0 =	vand.u32 $0x7F, v0;
	v1 =	vand.u32 $0x3FFE00, v1  }
0x41: {  	s31 =	sshll.u32 s11, $0xB;
	v0 =	vor.u32 v0, v1  }
0x42: {  	s15 =	simm.s32 $0x0;
	s13 =	sand.u32 $0x800, s31  }
0x43: {  	s16 =	sand.u32 $0x600, s15;
	s13 =	sor.u32 $0x400, s13  }
0x44: {  	s15 =	sand.u32 $0x70, s15;
	(ifvalue) =	ssetifvalue $0x7FFFFFFF;
	s16 =	sadd.s32 s16, s13;
	v1 =	vor.u32 $0x80, v0  }
0x45: {  	(ifvalue) =	ssetifvalue $0x7FFFFFFF;
	s20 =	sadd.s32 s15, s16  }
0x46: {  	[tilespmem:s20], [sflag:$0x1] =	stream.indirect_vreg.gather [hbm4b:s2+s10], $0x1, v0, vm0, $0x4038;
	[tilespmem:$0x1400] =	vst v63  }
0x47: {  	v2 =	vor.u32 $0x100, v0;
	(ifvalue) =	ssetifvalue $0x7FFFFFFF  }
0x48: {  	s15 =	sadd.s32 $0x80, s20;
	(ifvalue) =	ssetifvalue $0x7FFFFFFF  }
0x49: {  	[tilespmem:s15], [sflag:$0x1] =	stream.indirect_vreg.gather [hbm4b:s2+s10], $0x1, v1, vm0, $0x4038;
	[tilespmem:$0x1400] =	vst v63  }
0x4a: {  	s18 =	simm.s32 $0x20;
	v0 =	vor.u32 $0x180, v0;
	(ifvalue) =	ssetifvalue $0x7FFFFFFF  }
0x4b: {  	s19 =	simm.s32 $0x80;
	s17 =	sadd.s32 $0x100, s20;
	(ifvalue) =	ssetifvalue $0x7FFFFFFF  }
0x4c: {  	[tilespmem:s17], [sflag:$0x1] =	stream.indirect_vreg.gather [hbm4b:s2+s10], $0x1, v2, vm0, $0x4038;
	[tilespmem:$0x1400] =	vst v63  }
0x4d: {  	s16 =	simm.s32 $0x40;
	s20 =	sadd.s32 $0x180, s20;
	(ifvalue) =	ssetifvalue $0x7FFFFFFF  }
0x4e: {  	s15 =	simm.s32 $0x10;
	s17 =	simm.s32 $0x10;
	(ifvalue) =	ssetifvalue $0x7FFFFFFF  }
.LBB2_3:
0x4f: {  	[tilespmem:s20], [sflag:$0x1] =	stream.indirect_vreg.gather [hbm4b:s2+s10], $0x1, v0, vm0, $0x4038;
	[tilespmem:$0x1400] =	vst v63  }
0x50: {  	p1 =	sne.s32 s18, $0x1F0;
	s20 =	sadd.s32 s17, s14;
	s17 =	sshra.s32 s19, $0x2  }
0x51: {  	v0 =	vld.msk [tilespmem:s20+$0x0 ss:$0x1], $0xffff;
	s20 =	smov.u32 s18;
	s18 =	sadd.s32 $0x10, s18  }
0x52: {  	(ifvalue) =	ssetifvalue $0x7FFFFFFF;
	_ =	sdelay $0x4  }
0x53: {  	vm1 =	vgt.s32 v0, $0x0  }
0x54: {  	v0 =	vnsel vm1, $0x0, v0  }
0x55: {  	v0 =	vmin.u32 v0, $0xF423F  }
0x56: {  	v1 =	vshll.u32 v0, $0x2  }
0x57: {  	v0 =	vand.u32 $0x7F, v0;
	v1 =	vand.u32 $0x3FFE00, v1  }
0x58: {  	v0 =	vor.u32 v0, v1;
	_ =	sdelay $0x1  }
0x59: {  	s21 =	sand.u32 $0x600, s16;
	s16 =	smov.u32 s19  }
0x5a: {  	s22 =	sand.u32 $0x70, s15;
	s21 =	sadd.s32 s21, s13;
	s15 =	smov.u32 s20;
	v1 =	vor.u32 $0x80, v0  }
0x5b: {  	s20 =	sadd.s32 s22, s21;
	(ifvalue) =	ssetifvalue $0x7FFFFFFF  }
0x5c: {  	[tilespmem:s20], [sflag:$0x1] =	stream.indirect_vreg.gather [hbm4b:s2+s10], $0x1, v0, vm0, $0x4038;
	[tilespmem:$0x1400] =	vst v63  }
0x5d: {  	v2 =	vor.u32 $0x100, v0;
	(ifvalue) =	ssetifvalue $0x7FFFFFFF  }
0x5e: {  	s21 =	sadd.s32 $0x80, s20;
	(ifvalue) =	ssetifvalue $0x7FFFFFFF  }
0x5f: {  	[tilespmem:s21], [sflag:$0x1] =	stream.indirect_vreg.gather [hbm4b:s2+s10], $0x1, v1, vm0, $0x4038;
	[tilespmem:$0x1400] =	vst v63  }
.Ltmp3:
0x60: {  	v0 =	vor.u32 $0x180, v0;
	(ifvalue) =	ssetifvalue $0x7FFFFFFF;
	(pc) =	sbr.rel @p1 .LBB2_3-.Ltmp3, $4  }
0x61: {  	s21 =	sadd.s32 $0x100, s20;
	(ifvalue) =	ssetifvalue $0x7FFFFFFF  }
0x62: {  	[tilespmem:s21], [sflag:$0x1] =	stream.indirect_vreg.gather [hbm4b:s2+s10], $0x1, v2, vm0, $0x4038;
	[tilespmem:$0x1400] =	vst v63  }
0x63: {  	(ifvalue) =	ssetifvalue $0x7FFFFFFF  }
0x64: {  	s19 =	sadd.s32 $0x40, s19;
	s20 =	sadd.s32 $0x180, s20;
	(ifvalue) =	ssetifvalue $0x7FFFFFFF  }
.Ltmp4:
0x65: {  	_ = 	snop;
	(pc) =	sbr.rel .LBB2_4-.Ltmp4, $1  }
0x66: {  	_ =	sdelay $0x3  }
.LBB2_6:
0x67: {  	_ =	sfence.sel $0x180000  }
0x68: {  	s2 =	simm.s32 $0x2;
	[bflag:$0x0] =	sbarrier.arrive $0xFFFF  }
0x69: {  	s30 =	simm.s32 $0x3;
	[sflag:s2] =	ssyncpa.u1 $0x1  }
0x6a: {  	s31 =	simm.s32 $0x1;
	[sflag:s30] =	ssyncpa.u1 $0x1  }
0x6b: {  	[sflag:s31] =	ssyncpa.u1 $0x1  }
0x6c: {  	p0 =	sne.s32 s0, $0x0;
	_ =	strace $0x90000047  }
0x6d: {  	s0 =	sadd.s32 @!p0 $0x100000, s1;
	[bflag:$0x2] =	sbarrier.arrive $0xFFFF  }
0x6e: {  	[sflag:s0] =	ssyncadd.tile.s32 @!p0 $0x1;
	_ =	shalt  }
.Lfunc_end2:
_tile_overlayer_lowered:
.L_overlay_start_2:
0x6f: {  	(tag) =	ssettag $0x2  }
0x70: {  	s0 =	rddreg [dreg:$0x0];
	s2 =	stileid.u32  }
0x71: {  	s1 =	rddreg [dreg:$0x1];
	p0 =	sne.s32 s2, $0x0  }
0x72: {  	s3 =	rddreg [dreg:$0x2];
	[bflag:$0x3] =	sbarrier.arrive $0xFFFF;
	s2 =	simm.s32 @!p0 $0x1C01  }
0x73: {  	[timem:s3], [sflag:s2] =	dma.local @!p0 [hbm:s0], s1  }
0x74: {  	s0 =	simm.s32 @!p0 $0x1  }
0x75: {  	_ =	swait.ge @!p0 [sflag:s0], s1  }
0x76: {  	s1 =	ssub.s32 @!p0 $0x0, s1;
	[sflag:s0] =	ssyncset.done @!p0 $0x0  }
0x77: {  	[sflag:s0] =	ssyncadd.s32 @!p0 s1  }
0x78: {  	[bflag:$0x3] =	sbarrier.arrive $0xFFFF  }
0x79: {  	_ =	shalt  }

</sc_bundles>
